<compile_context>
chip_gen: v7x
topology: tpu7x:2x2x1
jax: 0.10.2.dev20260603
libtpu: 0.0.44.dev20260713+nightly
codegen_flags: <defaults>
</compile_context>

<pallas_src>
import jax
import jax.numpy as jnp
from jax import lax
from jax.experimental import pallas as pl
from jax.experimental.pallas import tpu as pltpu
from jax.experimental.pallas import tpu_sc as plsc

Q = 1_000_000
D = 16
B = 16384
NC = 2
NS = 16
NW = NC * NS
R = Q // NW
L = 16
CAPB = 1536
NR = CAPB // 128


def _sc_body(bf_hbm, idx_hbm, out_hbm,
             idx_v, gl, pv, keep, tag, fg2, fp2, rows, sem, sem2):
  wid = lax.axis_index("s") * NC + lax.axis_index("c")
  base = (wid * R).astype(jnp.int32)
  iota = lax.iota(jnp.int32, L)

  pltpu.sync_copy(idx_hbm, idx_v)

  def fbody(j, n):
    v = idx_v[pl.ds(j * L, L)]
    m = (v >= base) & (v < base + R)
    c = plsc.cumsum(m.astype(jnp.int32))
    dst = n + c - 1
    plsc.store_scatter(gl, [dst], v, mask=m)
    plsc.store_scatter(pv, [dst], iota + j * L, mask=m)
    return n + jnp.max(c)

  n = lax.fori_loop(0, B // L, fbody, jnp.int32(0))
  nch = (n + L - 1) // L

  def cdbody(c, _):
    off = c * L
    v = gl[pl.ds(off, L)]
    valid = iota < n - off
    _, lastm = plsc.scan_count(v, valid)
    km = lastm & valid
    keep[pl.ds(off, L)] = km.astype(jnp.int32)
    plsc.store_scatter(tag, [v - base], iota + off, mask=km)
    return 0

  lax.fori_loop(0, nch, cdbody, 0)

  def ebody(c, n2):
    off = c * L
    v = gl[pl.ds(off, L)]
    km = keep[pl.ds(off, L)] != 0
    t = plsc.load_gather(tag, [v - base], mask=km)
    win = km & (t == iota + off)
    c2 = plsc.cumsum(win.astype(jnp.int32))
    dst = n2 + c2 - 1
    plsc.store_scatter(fg2, [dst // 128, dst % 128], v, mask=win)
    plsc.store_scatter(fp2, [dst // 128, dst % 128], pv[pl.ds(off, L)],
                       mask=win)
    return n2 + jnp.max(c2)

  n2 = lax.fori_loop(0, nch, ebody, jnp.int32(0))

  @pl.when(n2 > 0)
  def _pad():
    last = iota * 0 + (n2 - 1)
    lv = plsc.load_gather(fg2, [last // 128, last % 128])
    lp = plsc.load_gather(fp2, [last // 128, last % 128])
    for t in range(128 // L + 1):
      dst = n2 + t * L + iota
      plsc.store_scatter(fg2, [dst // 128, dst % 128], lv)
      plsc.store_scatter(fp2, [dst // 128, dst % 128], lp)

  nf = (n2 + 127) // 128

  def gfire(c, _):
    pltpu.async_copy(bf_hbm.at[fp2.at[c]], rows.at[pl.ds(c * 128, 128)], sem)
    return 0

  def gdrain(c, _):
    pltpu.make_async_copy(
        bf_hbm.at[fp2.at[c]], rows.at[pl.ds(c * 128, 128)], sem).wait()
    return 0

  lax.fori_loop(0, nf, gfire, 0)
  lax.fori_loop(0, nf, gdrain, 0)

  def sfire(c, _):
    pltpu.async_copy(rows.at[pl.ds(c * 128, 128)], out_hbm.at[fg2.at[c]], sem2)
    return 0

  def sdrain(c, _):
    pltpu.make_async_copy(
        rows.at[pl.ds(c * 128, 128)], out_hbm.at[fg2.at[c]], sem2).wait()
    return 0

  lax.fori_loop(0, nf, sfire, 0)
  lax.fori_loop(0, nf, sdrain, 0)


_mesh = plsc.VectorSubcoreMesh(
    core_axis_name="c", subcore_axis_name="s", num_cores=NC, num_subcores=NS)

_sc_update = pl.kernel(
    _sc_body,
    out_type=(),
    mesh=_mesh,
    compiler_params=pltpu.CompilerParams(
        use_tc_tiling_on_sc=False, needs_layout_passes=False),
    scratch_types=[
        pltpu.VMEM((B,), jnp.int32),
        pltpu.VMEM((CAPB,), jnp.int32),
        pltpu.VMEM((CAPB,), jnp.int32),
        pltpu.VMEM((CAPB,), jnp.int32),
        pltpu.VMEM((R,), jnp.int32),
        pltpu.VMEM((NR, 128), jnp.int32),
        pltpu.VMEM((NR, 128), jnp.int32),
        pltpu.VMEM((CAPB, D), jnp.float32),
        pltpu.SemaphoreType.DMA,
        pltpu.SemaphoreType.DMA,
    ],
    name="key_memory_scatter",
)


@jax.jit
def kernel(batch_features, batch_indices, features):
  out_ref = jax.new_ref(features)
  _sc_update(batch_features, batch_indices.astype(jnp.int32), out_ref)
  return out_ref[...]

# --- scband reference (transcript-rebuilt; emitter-appended) ---
"""Pipeline reference for scband-key-memory-18777597018312 (READ-ONLY COPY).

The authoritative reference and input builder live on the scoring server;
editing this copy changes nothing except your own understanding.
"""

import jax, jax.numpy as jnp
import numpy as np

QUEUE_SIZE = 1000000
FEATURE_DIM = 16
BATCH = 16384


def setup_inputs(seed: int = 0) -> dict:
    key = jax.random.key(seed)
    k1, k2, k3 = jax.random.split(key, 3)
    stdv = 1.0 / np.sqrt(FEATURE_DIM / 3)
    # buffer initialized like torch.rand(...).mul_(2*stdv).add_(-stdv)
    features = jax.random.uniform(k1, (QUEUE_SIZE, FEATURE_DIM), dtype=jnp.float32) * (2 * stdv) - stdv
    batch_features = jax.random.normal(k2, (BATCH, FEATURE_DIM), dtype=jnp.float32)
    batch_indices = jax.random.randint(k3, (BATCH,), 0, QUEUE_SIZE, dtype=jnp.int64 if jax.config.jax_enable_x64 else jnp.int32)
    return {"batch_features": batch_features, "batch_indices": batch_indices, "features": features}


def reference(batch_features, batch_indices, features):
    # store_keys: self.features.index_copy_(0, batch_indices, batch_features)
    # scatter-overwrite rows of the memory buffer, then get_queue() returns the buffer
    updated = features.at[batch_indices].set(batch_features)
    return updated

if __name__ == "__main__":
    import jax
    _d = setup_inputs()
    print(jax.jit(kernel)(*tuple(_d.values())))

</pallas_src>

<mosaic_0001>
#map = affine_map<(d0, d1) -> (0, 0)>
#map1 = affine_map<(d0, d1) -> (0)>
module attributes {stable_mosaic.version = 14 : i64} {
  func.func @new_body(%arg0: i32, %arg1: i32, %arg2: memref<16384x16xf32, #tpu.memory_space<hbm>>, %arg3: memref<16384xi32, #tpu.memory_space<hbm>>, %arg4: memref<1000000x16xf32, #tpu.memory_space<hbm>>, %arg5: memref<1000000x16xf32, #tpu.memory_space<hbm>>, %arg6: memref<16384xi32, #tpu.memory_space<vmem>>, %arg7: memref<1536xi32, #tpu.memory_space<vmem>>, %arg8: memref<1536xi32, #tpu.memory_space<vmem>>, %arg9: memref<1536xi32, #tpu.memory_space<vmem>>, %arg10: memref<31250xi32, #tpu.memory_space<vmem>>, %arg11: memref<12x128xi32, #tpu.memory_space<vmem>>, %arg12: memref<12x128xi32, #tpu.memory_space<vmem>>, %arg13: memref<1536x16xf32, #tpu.memory_space<vmem>>, %arg14: memref<!tpu.dma_semaphore, #tpu.memory_space<semaphore_mem>>, %arg15: memref<!tpu.dma_semaphore, #tpu.memory_space<semaphore_mem>>) attributes {dimension_semantics = [#tpu.dimension_semantics<core_parallel>, #tpu.dimension_semantics<subcore_parallel>], iteration_bounds = array<i64: 2, 16>, scalar_prefetch = 0 : i64, scratch_operands = 10 : i64, tpu.core_type = #tpu.core_type<sc_vector_subcore>, window_params = [{transform_indices = #map}, {transform_indices = #map1}, {transform_indices = #map}, {transform_indices = #map}]} {
    %mul3A = arith.constant 2 : i32
    %mul3A_0 = arith.muli %arg1, %mul3A : i32
    %add3A = arith.addi %mul3A_0, %arg0 : i32
    %mul3A_1 = arith.constant 31250 : i32
    %mul3A_2 = arith.muli %add3A, %mul3A_1 : i32
    %iota3A = tpu.iota {dimensions = array<i32: 0>} : vector<16xi32>
    "tpu.region"() ({
      %run_scoped3A = tpu.sem_alloc : memref<!tpu.dma_semaphore, #tpu.memory_space<semaphore_mem>>
      tpu.enqueue_dma source(%arg3 : memref<16384xi32, #tpu.memory_space<hbm>>) target(%arg6 : memref<16384xi32, #tpu.memory_space<vmem>>) target_semaphore(%run_scoped3A : memref<!tpu.dma_semaphore, #tpu.memory_space<semaphore_mem>>)
      tpu.wait_dma2 semaphore(%run_scoped3A : memref<!tpu.dma_semaphore, #tpu.memory_space<semaphore_mem>>) src(%arg3 : memref<16384xi32, #tpu.memory_space<hbm>>) dst(%arg6 : memref<16384xi32, #tpu.memory_space<vmem>>)
      tpu.yield
    }) : () -> ()
    %scan3A = arith.constant 0 : i32
    %scan3A_3 = arith.constant 0 : i32
    %scan3A_4 = arith.constant 1024 : i32
    %scan3A_5 = arith.addi %scan3A_3, %scan3A_4 : i32
    %scan3A_6 = arith.constant 1 : i32
    %scan3A_7 = scf.for %scan3A_128 = %scan3A_3 to %scan3A_5 step %scan3A_6 iter_args(%scan3A_129 = %scan3A) -> (i32)  : i32 {
      %mul3A_130 = arith.constant 16 : i32
      %mul3A_131 = arith.muli %scan3A_128, %mul3A_130 : i32
      %get3A = arith.index_cast %mul3A_131 : i32 to index
      %get3A_132 = tpu.vector_load %arg6[%get3A] {strides = array<i32>} : memref<16384xi32, #tpu.memory_space<vmem>>, vector<16xi32>,
      %ge3A = vector.broadcast %mul3A_2 : i32 to vector<16xi32>
      %ge3A_133 = arith.cmpi sge, %get3A_132, %ge3A : vector<16xi32>
      %add3A_134 = arith.constant 31250 : i32
      %add3A_135 = arith.addi %mul3A_2, %add3A_134 : i32
      %lt3A = vector.broadcast %add3A_135 : i32 to vector<16xi32>
      %lt3A_136 = arith.cmpi slt, %get3A_132, %lt3A : vector<16xi32>
      %and3A_137 = arith.andi %ge3A_133, %lt3A_136 : vector<16xi1>
      %convert_element_type3A_138 = arith.extui %and3A_137 : vector<16xi1> to vector<16xi32>
      %broadcast_in_dim3A = arith.constant true
      %broadcast_in_dim3A_139 = vector.broadcast %broadcast_in_dim3A : i1 to vector<16xi1>
      %masked_cumsum3A = tpu.scan <sum>, %convert_element_type3A_138 masked %broadcast_in_dim3A_139 : vector<16xi32>, vector<16xi1> -> vector<16xi32>
      %add3A_140 = vector.broadcast %scan3A_129 : i32 to vector<16xi32>
      %add3A_141 = arith.addi %add3A_140, %masked_cumsum3A : vector<16xi32>
      %sub3A_142 = arith.constant 1 : i32
      %sub3A_143 = vector.broadcast %sub3A_142 : i32 to vector<16xi32>
      %sub3A_144 = arith.subi %add3A_141, %sub3A_143 : vector<16xi32>
      tpu.vector_store_idx %arg7[%sub3A_144], %get3A_132 masked %and3A_137 : memref<1536xi32, #tpu.memory_space<vmem>>[vector<16xi32>], vector<16xi32>, vector<16xi1>
      %mul3A_145 = arith.constant 16 : i32
      %mul3A_146 = arith.muli %scan3A_128, %mul3A_145 : i32
      %add3A_147 = vector.broadcast %mul3A_146 : i32 to vector<16xi32>
      %add3A_148 = arith.addi %iota3A, %add3A_147 : vector<16xi32>
      tpu.vector_store_idx %arg8[%sub3A_144], %add3A_148 masked %and3A_137 : memref<1536xi32, #tpu.memory_space<vmem>>[vector<16xi32>], vector<16xi32>, vector<16xi1>
      %reduce_max3A = arith.constant true
      %reduce_max3A_149 = vector.broadcast %reduce_max3A : i1 to vector<16xi1>
      %reduce_max3A_150 = arith.constant -2147483648 : i32
      %reduce_max3A_151 = vector.broadcast %reduce_max3A_150 : i32 to vector<16xi32>
      %reduce_max3A_152 = arith.xori %masked_cumsum3A, %reduce_max3A_151 : vector<16xi32>
      %reduce_max3A_153 = tpu.scan <max>, %reduce_max3A_152 masked %reduce_max3A_149 : vector<16xi32>, vector<16xi1> -> vector<16xi32>
      %reduce_max3A_154 = arith.xori %reduce_max3A_153, %reduce_max3A_151 : vector<16xi32>
      %reduce_max3A_155 = vector.extract %reduce_max3A_154[15] : i32 from vector<16xi32>
      %add3A_156 = arith.addi %scan3A_129, %reduce_max3A_155 : i32
      scf.yield %add3A_156 : i32
    }
    %scan3A_8 = arith.constant 1024 : i32
    %add3A_9 = arith.constant 16 : i32
    %add3A_10 = arith.addi %scan3A_7, %add3A_9 : i32
    %sub3A = arith.constant 1 : i32
    %sub3A_11 = arith.subi %add3A_10, %sub3A : i32
    %jit3A = arith.constant 16 : i32
    %div3A = arith.divsi %sub3A_11, %jit3A : i32
    %sign3A = arith.constant 0 : i32
    %sign3A_12 = arith.cmpi sgt, %sub3A_11, %sign3A : i32
    %sign3A_13 = arith.extui %sign3A_12 : i1 to i32
    %sign3A_14 = arith.constant 0 : i32
    %sign3A_15 = arith.cmpi slt, %sub3A_11, %sign3A_14 : i32
    %sign3A_16 = arith.extui %sign3A_15 : i1 to i32
    %sign3A_17 = arith.subi %sign3A_13, %sign3A_16 : i32
    %sign3A_18 = arith.constant 0 : i32
    %sign3A_19 = arith.cmpi sgt, %jit3A, %sign3A_18 : i32
    %sign3A_20 = arith.extui %sign3A_19 : i1 to i32
    %sign3A_21 = arith.constant 0 : i32
    %sign3A_22 = arith.cmpi slt, %jit3A, %sign3A_21 : i32
    %sign3A_23 = arith.extui %sign3A_22 : i1 to i32
    %sign3A_24 = arith.subi %sign3A_20, %sign3A_23 : i32
    %ne3A = arith.cmpi ne, %sign3A_17, %sign3A_24 : i32
    %rem3A = arith.remsi %sub3A_11, %jit3A : i32
    %ne3A_25 = arith.constant 0 : i32
    %ne3A_26 = arith.cmpi ne, %rem3A, %ne3A_25 : i32
    %and3A = arith.andi %ne3A, %ne3A_26 : i1
    %sub3A_27 = arith.constant 1 : i32
    %sub3A_28 = arith.subi %div3A, %sub3A_27 : i32
    %select_n3A = arith.select %and3A, %sub3A_28, %div3A : i32
    %while3A = arith.constant 0 : i32
    %while3A_29 = arith.constant 0 : i32
    %while3A_30 = arith.subi %select_n3A, %while3A : i32
    %while3A_31 = arith.addi %while3A, %while3A_30 : i32
    %while3A_32 = arith.constant 1 : i32
    %while3A_33 = arith.divsi %while3A_30, %while3A_32 : i32
    %while3A_34 = arith.muli %while3A_33, %while3A_32 : i32
    %while3A_35 = arith.addi %while3A, %while3A_34 : i32
    %while3A_36 = arith.constant 1 : i32
    %while3A_37 = scf.for %while3A_128 = %while3A to %while3A_35 step %while3A_36 iter_args(%while3A_129 = %while3A_29) -> (i32)  : i32 {
      %mul3A_130 = arith.constant 16 : i32
      %mul3A_131 = arith.muli %while3A_128, %mul3A_130 : i32
      %get3A = arith.index_cast %mul3A_131 : i32 to index
      %get3A_132 = tpu.vector_load %arg7[%get3A] {strides = array<i32>} : memref<1536xi32, #tpu.memory_space<vmem>>, vector<16xi32>,
      %sub3A_133 = arith.subi %scan3A_7, %mul3A_131 : i32
      %lt3A = vector.broadcast %sub3A_133 : i32 to vector<16xi32>
      %lt3A_134 = arith.cmpi slt, %iota3A, %lt3A : vector<16xi32>
      %unique3A, %unique3A_135 = tpu.scan_count mask(%lt3A_134 : vector<16xi1>) value(%get3A_132 : vector<16xi32>) : vector<16xi1>, vector<16xi32>
      %and3A_136 = arith.andi %unique3A, %lt3A_134 : vector<16xi1>
      %convert_element_type3A_137 = arith.extui %and3A_136 : vector<16xi1> to vector<16xi32>
      %swap3A = arith.index_cast %mul3A_131 : i32 to index
      %swap3A_138 = tpu.vector_load %arg9[%swap3A] {strides = array<i32>} : memref<1536xi32, #tpu.memory_space<vmem>>, vector<16xi32>,
      tpu.vector_store %arg9[%swap3A], %convert_element_type3A_137 {strides = array<i32>} : memref<1536xi32, #tpu.memory_space<vmem>>, vector<16xi32>,
      %sub3A_139 = vector.broadcast %mul3A_2 : i32 to vector<16xi32>
      %sub3A_140 = arith.subi %get3A_132, %sub3A_139 : vector<16xi32>
      %add3A_141 = vector.broadcast %mul3A_131 : i32 to vector<16xi32>
      %add3A_142 = arith.addi %iota3A, %add3A_141 : vector<16xi32>
      tpu.vector_store_idx %arg10[%sub3A_140], %add3A_142 masked %and3A_136 : memref<31250xi32, #tpu.memory_space<vmem>>[vector<16xi32>], vector<16xi32>, vector<16xi1>
      %while3A_143 = arith.constant 0 : i32
      scf.yield %while3A_143 : i32
    }
    %while3A_38 = arith.constant 1 : i32
    %while3A_39 = scf.for %while3A_128 = %while3A_35 to %while3A_31 step %while3A_38 iter_args(%while3A_129 = %while3A_37) -> (i32)  : i32 {
      %mul3A_130 = arith.constant 16 : i32
      %mul3A_131 = arith.muli %while3A_128, %mul3A_130 : i32
      %get3A = arith.index_cast %mul3A_131 : i32 to index
      %get3A_132 = tpu.vector_load %arg7[%get3A] {strides = array<i32>} : memref<1536xi32, #tpu.memory_space<vmem>>, vector<16xi32>,
      %sub3A_133 = arith.subi %scan3A_7, %mul3A_131 : i32
      %lt3A = vector.broadcast %sub3A_133 : i32 to vector<16xi32>
      %lt3A_134 = arith.cmpi slt, %iota3A, %lt3A : vector<16xi32>
      %unique3A, %unique3A_135 = tpu.scan_count mask(%lt3A_134 : vector<16xi1>) value(%get3A_132 : vector<16xi32>) : vector<16xi1>, vector<16xi32>
      %and3A_136 = arith.andi %unique3A, %lt3A_134 : vector<16xi1>
      %convert_element_type3A_137 = arith.extui %and3A_136 : vector<16xi1> to vector<16xi32>
      %swap3A = arith.index_cast %mul3A_131 : i32 to index
      %swap3A_138 = tpu.vector_load %arg9[%swap3A] {strides = array<i32>} : memref<1536xi32, #tpu.memory_space<vmem>>, vector<16xi32>,
      tpu.vector_store %arg9[%swap3A], %convert_element_type3A_137 {strides = array<i32>} : memref<1536xi32, #tpu.memory_space<vmem>>, vector<16xi32>,
      %sub3A_139 = vector.broadcast %mul3A_2 : i32 to vector<16xi32>
      %sub3A_140 = arith.subi %get3A_132, %sub3A_139 : vector<16xi32>
      %add3A_141 = vector.broadcast %mul3A_131 : i32 to vector<16xi32>
      %add3A_142 = arith.addi %iota3A, %add3A_141 : vector<16xi32>
      tpu.vector_store_idx %arg10[%sub3A_140], %add3A_142 masked %and3A_136 : memref<31250xi32, #tpu.memory_space<vmem>>[vector<16xi32>], vector<16xi32>, vector<16xi1>
      %while3A_143 = arith.constant 0 : i32
      scf.yield %while3A_143 : i32
    }
    %while3A_40 = arith.constant 0 : i32
    %while3A_41 = arith.constant 0 : i32
    %while3A_42 = arith.subi %select_n3A, %while3A_40 : i32
    %while3A_43 = arith.addi %while3A_40, %while3A_42 : i32
    %while3A_44 = arith.constant 1 : i32
    %while3A_45 = arith.divsi %while3A_42, %while3A_44 : i32
    %while3A_46 = arith.muli %while3A_45, %while3A_44 : i32
    %while3A_47 = arith.addi %while3A_40, %while3A_46 : i32
    %while3A_48 = arith.constant 1 : i32
    %while3A_49 = scf.for %while3A_128 = %while3A_40 to %while3A_47 step %while3A_48 iter_args(%while3A_129 = %while3A_41) -> (i32)  : i32 {
      %mul3A_130 = arith.constant 16 : i32
      %mul3A_131 = arith.muli %while3A_128, %mul3A_130 : i32
      %get3A = arith.index_cast %mul3A_131 : i32 to index
      %get3A_132 = tpu.vector_load %arg7[%get3A] {strides = array<i32>} : memref<1536xi32, #tpu.memory_space<vmem>>, vector<16xi32>,
      %get3A_133 = arith.index_cast %mul3A_131 : i32 to index
      %get3A_134 = tpu.vector_load %arg9[%get3A_133] {strides = array<i32>} : memref<1536xi32, #tpu.memory_space<vmem>>, vector<16xi32>,
      %ne3A_135 = arith.constant 0 : i32
      %ne3A_136 = vector.broadcast %ne3A_135 : i32 to vector<16xi32>
      %ne3A_137 = arith.cmpi ne, %get3A_134, %ne3A_136 : vector<16xi32>
      %sub3A_138 = vector.broadcast %mul3A_2 : i32 to vector<16xi32>
      %sub3A_139 = arith.subi %get3A_132, %sub3A_138 : vector<16xi32>
      %gather3A = tpu.vector_load_idx %arg10[%sub3A_139] masked %ne3A_137 : memref<31250xi32, #tpu.memory_space<vmem>>[vector<16xi32>], vector<16xi32>, vector<16xi1>
      %add3A_140 = vector.broadcast %mul3A_131 : i32 to vector<16xi32>
      %add3A_141 = arith.addi %iota3A, %add3A_140 : vector<16xi32>
      %eq3A = arith.cmpi eq, %gather3A, %add3A_141 : vector<16xi32>
      %and3A_142 = arith.andi %ne3A_137, %eq3A : vector<16xi1>
      %convert_element_type3A_143 = arith.extui %and3A_142 : vector<16xi1> to vector<16xi32>
      %broadcast_in_dim3A = arith.constant true
      %broadcast_in_dim3A_144 = vector.broadcast %broadcast_in_dim3A : i1 to vector<16xi1>
      %masked_cumsum3A = tpu.scan <sum>, %convert_element_type3A_143 masked %broadcast_in_dim3A_144 : vector<16xi32>, vector<16xi1> -> vector<16xi32>
      %add3A_145 = vector.broadcast %while3A_129 : i32 to vector<16xi32>
      %add3A_146 = arith.addi %add3A_145, %masked_cumsum3A : vector<16xi32>
      %sub3A_147 = arith.constant 1 : i32
      %sub3A_148 = vector.broadcast %sub3A_147 : i32 to vector<16xi32>
      %sub3A_149 = arith.subi %add3A_146, %sub3A_148 : vector<16xi32>
      %jit3A_150 = arith.constant 128 : i32
      %div3A_151 = vector.broadcast %jit3A_150 : i32 to vector<16xi32>
      %div3A_152 = arith.divsi %sub3A_149, %div3A_151 : vector<16xi32>
      %sign3A_153 = arith.constant 0 : i32
      %sign3A_154 = vector.broadcast %sign3A_153 : i32 to vector<16xi32>
      %sign3A_155 = arith.cmpi sgt, %sub3A_149, %sign3A_154 : vector<16xi32>
      %sign3A_156 = arith.extui %sign3A_155 : vector<16xi1> to vector<16xi32>
      %sign3A_157 = arith.constant 0 : i32
      %sign3A_158 = vector.broadcast %sign3A_157 : i32 to vector<16xi32>
      %sign3A_159 = arith.cmpi slt, %sub3A_149, %sign3A_158 : vector<16xi32>
      %sign3A_160 = arith.extui %sign3A_159 : vector<16xi1> to vector<16xi32>
      %sign3A_161 = arith.subi %sign3A_156, %sign3A_160 : vector<16xi32>
      %sign3A_162 = arith.constant 0 : i32
      %sign3A_163 = arith.cmpi sgt, %jit3A_150, %sign3A_162 : i32
      %sign3A_164 = arith.extui %sign3A_163 : i1 to i32
      %sign3A_165 = arith.constant 0 : i32
      %sign3A_166 = arith.cmpi slt, %jit3A_150, %sign3A_165 : i32
      %sign3A_167 = arith.extui %sign3A_166 : i1 to i32
      %sign3A_168 = arith.subi %sign3A_164, %sign3A_167 : i32
      %ne3A_169 = vector.broadcast %sign3A_168 : i32 to vector<16xi32>
      %ne3A_170 = arith.cmpi ne, %sign3A_161, %ne3A_169 : vector<16xi32>
      %rem3A_171 = vector.broadcast %jit3A_150 : i32 to vector<16xi32>
      %rem3A_172 = arith.remsi %sub3A_149, %rem3A_171 : vector<16xi32>
      %ne3A_173 = arith.constant 0 : i32
      %ne3A_174 = vector.broadcast %ne3A_173 : i32 to vector<16xi32>
      %ne3A_175 = arith.cmpi ne, %rem3A_172, %ne3A_174 : vector<16xi32>
      %and3A_176 = arith.andi %ne3A_170, %ne3A_175 : vector<16xi1>
      %sub3A_177 = arith.constant 1 : i32
      %sub3A_178 = vector.broadcast %sub3A_177 : i32 to vector<16xi32>
      %sub3A_179 = arith.subi %div3A_152, %sub3A_178 : vector<16xi32>
      %select_n3A_180 = arith.select %and3A_176, %sub3A_179, %div3A_152 : vector<16xi1>, vector<16xi32>
      %jit3A_181 = arith.constant 128 : i32
      %eq3A_182 = arith.constant 0 : i32
      %eq3A_183 = arith.cmpi eq, %jit3A_181, %eq3A_182 : i32
      %jit3A_184 = arith.constant 1 : i32
      %select_n3A_185 = arith.select %eq3A_183, %jit3A_184, %jit3A_181 : i32
      %rem3A_186 = vector.broadcast %select_n3A_185 : i32 to vector<16xi32>
      %rem3A_187 = arith.remsi %sub3A_149, %rem3A_186 : vector<16xi32>
      %ne3A_188 = arith.constant 0 : i32
      %ne3A_189 = vector.broadcast %ne3A_188 : i32 to vector<16xi32>
      %ne3A_190 = arith.cmpi ne, %rem3A_187, %ne3A_189 : vector<16xi32>
      %lt3A = arith.constant 0 : i32
      %lt3A_191 = vector.broadcast %lt3A : i32 to vector<16xi32>
      %lt3A_192 = arith.cmpi slt, %rem3A_187, %lt3A_191 : vector<16xi32>
      %lt3A_193 = arith.constant 0 : i32
      %lt3A_194 = arith.cmpi slt, %select_n3A_185, %lt3A_193 : i32
      %ne3A_195 = vector.broadcast %lt3A_194 : i1 to vector<16xi1>
      %ne3A_196 = vector.broadcast %ne3A_195 : vector<16xi1> to vector<16xi1>
      %ne3A_197 = arith.xori %lt3A_192, %ne3A_196 : vector<16xi1>
      %and3A_198 = arith.andi %ne3A_197, %ne3A_190 : vector<16xi1>
      %add3A_199 = vector.broadcast %select_n3A_185 : i32 to vector<16xi32>
      %add3A_200 = arith.addi %rem3A_187, %add3A_199 : vector<16xi32>
      %select_n3A_201 = arith.select %and3A_198, %add3A_200, %rem3A_187 : vector<16xi1>, vector<16xi32>
      tpu.vector_store_idx %arg11[%select_n3A_180, %select_n3A_201], %get3A_132 masked %and3A_142 : memref<12x128xi32, #tpu.memory_space<vmem>>[vector<16xi32>, vector<16xi32>], vector<16xi32>, vector<16xi1>
      %jit3A_202 = arith.constant 128 : i32
      %div3A_203 = vector.broadcast %jit3A_202 : i32 to vector<16xi32>
      %div3A_204 = arith.divsi %sub3A_149, %div3A_203 : vector<16xi32>
      %sign3A_205 = arith.constant 0 : i32
      %sign3A_206 = vector.broadcast %sign3A_205 : i32 to vector<16xi32>
      %sign3A_207 = arith.cmpi sgt, %sub3A_149, %sign3A_206 : vector<16xi32>
      %sign3A_208 = arith.extui %sign3A_207 : vector<16xi1> to vector<16xi32>
      %sign3A_209 = arith.constant 0 : i32
      %sign3A_210 = vector.broadcast %sign3A_209 : i32 to vector<16xi32>
      %sign3A_211 = arith.cmpi slt, %sub3A_149, %sign3A_210 : vector<16xi32>
      %sign3A_212 = arith.extui %sign3A_211 : vector<16xi1> to vector<16xi32>
      %sign3A_213 = arith.subi %sign3A_208, %sign3A_212 : vector<16xi32>
      %sign3A_214 = arith.constant 0 : i32
      %sign3A_215 = arith.cmpi sgt, %jit3A_202, %sign3A_214 : i32
      %sign3A_216 = arith.extui %sign3A_215 : i1 to i32
      %sign3A_217 = arith.constant 0 : i32
      %sign3A_218 = arith.cmpi slt, %jit3A_202, %sign3A_217 : i32
      %sign3A_219 = arith.extui %sign3A_218 : i1 to i32
      %sign3A_220 = arith.subi %sign3A_216, %sign3A_219 : i32
      %ne3A_221 = vector.broadcast %sign3A_220 : i32 to vector<16xi32>
      %ne3A_222 = arith.cmpi ne, %sign3A_213, %ne3A_221 : vector<16xi32>
      %rem3A_223 = vector.broadcast %jit3A_202 : i32 to vector<16xi32>
      %rem3A_224 = arith.remsi %sub3A_149, %rem3A_223 : vector<16xi32>
      %ne3A_225 = arith.constant 0 : i32
      %ne3A_226 = vector.broadcast %ne3A_225 : i32 to vector<16xi32>
      %ne3A_227 = arith.cmpi ne, %rem3A_224, %ne3A_226 : vector<16xi32>
      %and3A_228 = arith.andi %ne3A_222, %ne3A_227 : vector<16xi1>
      %sub3A_229 = arith.constant 1 : i32
      %sub3A_230 = vector.broadcast %sub3A_229 : i32 to vector<16xi32>
      %sub3A_231 = arith.subi %div3A_204, %sub3A_230 : vector<16xi32>
      %select_n3A_232 = arith.select %and3A_228, %sub3A_231, %div3A_204 : vector<16xi1>, vector<16xi32>
      %jit3A_233 = arith.constant 128 : i32
      %eq3A_234 = arith.constant 0 : i32
      %eq3A_235 = arith.cmpi eq, %jit3A_233, %eq3A_234 : i32
      %jit3A_236 = arith.constant 1 : i32
      %select_n3A_237 = arith.select %eq3A_235, %jit3A_236, %jit3A_233 : i32
      %rem3A_238 = vector.broadcast %select_n3A_237 : i32 to vector<16xi32>
      %rem3A_239 = arith.remsi %sub3A_149, %rem3A_238 : vector<16xi32>
      %ne3A_240 = arith.constant 0 : i32
      %ne3A_241 = vector.broadcast %ne3A_240 : i32 to vector<16xi32>
      %ne3A_242 = arith.cmpi ne, %rem3A_239, %ne3A_241 : vector<16xi32>
      %lt3A_243 = arith.constant 0 : i32
      %lt3A_244 = vector.broadcast %lt3A_243 : i32 to vector<16xi32>
      %lt3A_245 = arith.cmpi slt, %rem3A_239, %lt3A_244 : vector<16xi32>
      %lt3A_246 = arith.constant 0 : i32
      %lt3A_247 = arith.cmpi slt, %select_n3A_237, %lt3A_246 : i32
      %ne3A_248 = vector.broadcast %lt3A_247 : i1 to vector<16xi1>
      %ne3A_249 = vector.broadcast %ne3A_248 : vector<16xi1> to vector<16xi1>
      %ne3A_250 = arith.xori %lt3A_245, %ne3A_249 : vector<16xi1>
      %and3A_251 = arith.andi %ne3A_250, %ne3A_242 : vector<16xi1>
      %add3A_252 = vector.broadcast %select_n3A_237 : i32 to vector<16xi32>
      %add3A_253 = arith.addi %rem3A_239, %add3A_252 : vector<16xi32>
      %select_n3A_254 = arith.select %and3A_251, %add3A_253, %rem3A_239 : vector<16xi1>, vector<16xi32>
      %get3A_255 = arith.index_cast %mul3A_131 : i32 to index
      %get3A_256 = tpu.vector_load %arg8[%get3A_255] {strides = array<i32>} : memref<1536xi32, #tpu.memory_space<vmem>>, vector<16xi32>,
      tpu.vector_store_idx %arg12[%select_n3A_232, %select_n3A_254], %get3A_256 masked %and3A_142 : memref<12x128xi32, #tpu.memory_space<vmem>>[vector<16xi32>, vector<16xi32>], vector<16xi32>, vector<16xi1>
      %reduce_max3A = arith.constant true
      %reduce_max3A_257 = vector.broadcast %reduce_max3A : i1 to vector<16xi1>
      %reduce_max3A_258 = arith.constant -2147483648 : i32
      %reduce_max3A_259 = vector.broadcast %reduce_max3A_258 : i32 to vector<16xi32>
      %reduce_max3A_260 = arith.xori %masked_cumsum3A, %reduce_max3A_259 : vector<16xi32>
      %reduce_max3A_261 = tpu.scan <max>, %reduce_max3A_260 masked %reduce_max3A_257 : vector<16xi32>, vector<16xi1> -> vector<16xi32>
      %reduce_max3A_262 = arith.xori %reduce_max3A_261, %reduce_max3A_259 : vector<16xi32>
      %reduce_max3A_263 = vector.extract %reduce_max3A_262[15] : i32 from vector<16xi32>
      %add3A_264 = arith.addi %while3A_129, %reduce_max3A_263 : i32
      scf.yield %add3A_264 : i32
    }
    %while3A_50 = arith.constant 1 : i32
    %while3A_51 = scf.for %while3A_128 = %while3A_47 to %while3A_43 step %while3A_50 iter_args(%while3A_129 = %while3A_49) -> (i32)  : i32 {
      %mul3A_130 = arith.constant 16 : i32
      %mul3A_131 = arith.muli %while3A_128, %mul3A_130 : i32
      %get3A = arith.index_cast %mul3A_131 : i32 to index
      %get3A_132 = tpu.vector_load %arg7[%get3A] {strides = array<i32>} : memref<1536xi32, #tpu.memory_space<vmem>>, vector<16xi32>,
      %get3A_133 = arith.index_cast %mul3A_131 : i32 to index
      %get3A_134 = tpu.vector_load %arg9[%get3A_133] {strides = array<i32>} : memref<1536xi32, #tpu.memory_space<vmem>>, vector<16xi32>,
      %ne3A_135 = arith.constant 0 : i32
      %ne3A_136 = vector.broadcast %ne3A_135 : i32 to vector<16xi32>
      %ne3A_137 = arith.cmpi ne, %get3A_134, %ne3A_136 : vector<16xi32>
      %sub3A_138 = vector.broadcast %mul3A_2 : i32 to vector<16xi32>
      %sub3A_139 = arith.subi %get3A_132, %sub3A_138 : vector<16xi32>
      %gather3A = tpu.vector_load_idx %arg10[%sub3A_139] masked %ne3A_137 : memref<31250xi32, #tpu.memory_space<vmem>>[vector<16xi32>], vector<16xi32>, vector<16xi1>
      %add3A_140 = vector.broadcast %mul3A_131 : i32 to vector<16xi32>
      %add3A_141 = arith.addi %iota3A, %add3A_140 : vector<16xi32>
      %eq3A = arith.cmpi eq, %gather3A, %add3A_141 : vector<16xi32>
      %and3A_142 = arith.andi %ne3A_137, %eq3A : vector<16xi1>
      %convert_element_type3A_143 = arith.extui %and3A_142 : vector<16xi1> to vector<16xi32>
      %broadcast_in_dim3A = arith.constant true
      %broadcast_in_dim3A_144 = vector.broadcast %broadcast_in_dim3A : i1 to vector<16xi1>
      %masked_cumsum3A = tpu.scan <sum>, %convert_element_type3A_143 masked %broadcast_in_dim3A_144 : vector<16xi32>, vector<16xi1> -> vector<16xi32>
      %add3A_145 = vector.broadcast %while3A_129 : i32 to vector<16xi32>
      %add3A_146 = arith.addi %add3A_145, %masked_cumsum3A : vector<16xi32>
      %sub3A_147 = arith.constant 1 : i32
      %sub3A_148 = vector.broadcast %sub3A_147 : i32 to vector<16xi32>
      %sub3A_149 = arith.subi %add3A_146, %sub3A_148 : vector<16xi32>
      %jit3A_150 = arith.constant 128 : i32
      %div3A_151 = vector.broadcast %jit3A_150 : i32 to vector<16xi32>
      %div3A_152 = arith.divsi %sub3A_149, %div3A_151 : vector<16xi32>
      %sign3A_153 = arith.constant 0 : i32
      %sign3A_154 = vector.broadcast %sign3A_153 : i32 to vector<16xi32>
      %sign3A_155 = arith.cmpi sgt, %sub3A_149, %sign3A_154 : vector<16xi32>
      %sign3A_156 = arith.extui %sign3A_155 : vector<16xi1> to vector<16xi32>
      %sign3A_157 = arith.constant 0 : i32
      %sign3A_158 = vector.broadcast %sign3A_157 : i32 to vector<16xi32>
      %sign3A_159 = arith.cmpi slt, %sub3A_149, %sign3A_158 : vector<16xi32>
      %sign3A_160 = arith.extui %sign3A_159 : vector<16xi1> to vector<16xi32>
      %sign3A_161 = arith.subi %sign3A_156, %sign3A_160 : vector<16xi32>
      %sign3A_162 = arith.constant 0 : i32
      %sign3A_163 = arith.cmpi sgt, %jit3A_150, %sign3A_162 : i32
      %sign3A_164 = arith.extui %sign3A_163 : i1 to i32
      %sign3A_165 = arith.constant 0 : i32
      %sign3A_166 = arith.cmpi slt, %jit3A_150, %sign3A_165 : i32
      %sign3A_167 = arith.extui %sign3A_166 : i1 to i32
      %sign3A_168 = arith.subi %sign3A_164, %sign3A_167 : i32
      %ne3A_169 = vector.broadcast %sign3A_168 : i32 to vector<16xi32>
      %ne3A_170 = arith.cmpi ne, %sign3A_161, %ne3A_169 : vector<16xi32>
      %rem3A_171 = vector.broadcast %jit3A_150 : i32 to vector<16xi32>
      %rem3A_172 = arith.remsi %sub3A_149, %rem3A_171 : vector<16xi32>
      %ne3A_173 = arith.constant 0 : i32
      %ne3A_174 = vector.broadcast %ne3A_173 : i32 to vector<16xi32>
      %ne3A_175 = arith.cmpi ne, %rem3A_172, %ne3A_174 : vector<16xi32>
      %and3A_176 = arith.andi %ne3A_170, %ne3A_175 : vector<16xi1>
      %sub3A_177 = arith.constant 1 : i32
      %sub3A_178 = vector.broadcast %sub3A_177 : i32 to vector<16xi32>
      %sub3A_179 = arith.subi %div3A_152, %sub3A_178 : vector<16xi32>
      %select_n3A_180 = arith.select %and3A_176, %sub3A_179, %div3A_152 : vector<16xi1>, vector<16xi32>
      %jit3A_181 = arith.constant 128 : i32
      %eq3A_182 = arith.constant 0 : i32
      %eq3A_183 = arith.cmpi eq, %jit3A_181, %eq3A_182 : i32
      %jit3A_184 = arith.constant 1 : i32
      %select_n3A_185 = arith.select %eq3A_183, %jit3A_184, %jit3A_181 : i32
      %rem3A_186 = vector.broadcast %select_n3A_185 : i32 to vector<16xi32>
      %rem3A_187 = arith.remsi %sub3A_149, %rem3A_186 : vector<16xi32>
      %ne3A_188 = arith.constant 0 : i32
      %ne3A_189 = vector.broadcast %ne3A_188 : i32 to vector<16xi32>
      %ne3A_190 = arith.cmpi ne, %rem3A_187, %ne3A_189 : vector<16xi32>
      %lt3A = arith.constant 0 : i32
      %lt3A_191 = vector.broadcast %lt3A : i32 to vector<16xi32>
      %lt3A_192 = arith.cmpi slt, %rem3A_187, %lt3A_191 : vector<16xi32>
      %lt3A_193 = arith.constant 0 : i32
      %lt3A_194 = arith.cmpi slt, %select_n3A_185, %lt3A_193 : i32
      %ne3A_195 = vector.broadcast %lt3A_194 : i1 to vector<16xi1>
      %ne3A_196 = vector.broadcast %ne3A_195 : vector<16xi1> to vector<16xi1>
      %ne3A_197 = arith.xori %lt3A_192, %ne3A_196 : vector<16xi1>
      %and3A_198 = arith.andi %ne3A_197, %ne3A_190 : vector<16xi1>
      %add3A_199 = vector.broadcast %select_n3A_185 : i32 to vector<16xi32>
      %add3A_200 = arith.addi %rem3A_187, %add3A_199 : vector<16xi32>
      %select_n3A_201 = arith.select %and3A_198, %add3A_200, %rem3A_187 : vector<16xi1>, vector<16xi32>
      tpu.vector_store_idx %arg11[%select_n3A_180, %select_n3A_201], %get3A_132 masked %and3A_142 : memref<12x128xi32, #tpu.memory_space<vmem>>[vector<16xi32>, vector<16xi32>], vector<16xi32>, vector<16xi1>
      %jit3A_202 = arith.constant 128 : i32
      %div3A_203 = vector.broadcast %jit3A_202 : i32 to vector<16xi32>
      %div3A_204 = arith.divsi %sub3A_149, %div3A_203 : vector<16xi32>
      %sign3A_205 = arith.constant 0 : i32
      %sign3A_206 = vector.broadcast %sign3A_205 : i32 to vector<16xi32>
      %sign3A_207 = arith.cmpi sgt, %sub3A_149, %sign3A_206 : vector<16xi32>
      %sign3A_208 = arith.extui %sign3A_207 : vector<16xi1> to vector<16xi32>
      %sign3A_209 = arith.constant 0 : i32
      %sign3A_210 = vector.broadcast %sign3A_209 : i32 to vector<16xi32>
      %sign3A_211 = arith.cmpi slt, %sub3A_149, %sign3A_210 : vector<16xi32>
      %sign3A_212 = arith.extui %sign3A_211 : vector<16xi1> to vector<16xi32>
      %sign3A_213 = arith.subi %sign3A_208, %sign3A_212 : vector<16xi32>
      %sign3A_214 = arith.constant 0 : i32
      %sign3A_215 = arith.cmpi sgt, %jit3A_202, %sign3A_214 : i32
      %sign3A_216 = arith.extui %sign3A_215 : i1 to i32
      %sign3A_217 = arith.constant 0 : i32
      %sign3A_218 = arith.cmpi slt, %jit3A_202, %sign3A_217 : i32
      %sign3A_219 = arith.extui %sign3A_218 : i1 to i32
      %sign3A_220 = arith.subi %sign3A_216, %sign3A_219 : i32
      %ne3A_221 = vector.broadcast %sign3A_220 : i32 to vector<16xi32>
      %ne3A_222 = arith.cmpi ne, %sign3A_213, %ne3A_221 : vector<16xi32>
      %rem3A_223 = vector.broadcast %jit3A_202 : i32 to vector<16xi32>
      %rem3A_224 = arith.remsi %sub3A_149, %rem3A_223 : vector<16xi32>
      %ne3A_225 = arith.constant 0 : i32
      %ne3A_226 = vector.broadcast %ne3A_225 : i32 to vector<16xi32>
      %ne3A_227 = arith.cmpi ne, %rem3A_224, %ne3A_226 : vector<16xi32>
      %and3A_228 = arith.andi %ne3A_222, %ne3A_227 : vector<16xi1>
      %sub3A_229 = arith.constant 1 : i32
      %sub3A_230 = vector.broadcast %sub3A_229 : i32 to vector<16xi32>
      %sub3A_231 = arith.subi %div3A_204, %sub3A_230 : vector<16xi32>
      %select_n3A_232 = arith.select %and3A_228, %sub3A_231, %div3A_204 : vector<16xi1>, vector<16xi32>
      %jit3A_233 = arith.constant 128 : i32
      %eq3A_234 = arith.constant 0 : i32
      %eq3A_235 = arith.cmpi eq, %jit3A_233, %eq3A_234 : i32
      %jit3A_236 = arith.constant 1 : i32
      %select_n3A_237 = arith.select %eq3A_235, %jit3A_236, %jit3A_233 : i32
      %rem3A_238 = vector.broadcast %select_n3A_237 : i32 to vector<16xi32>
      %rem3A_239 = arith.remsi %sub3A_149, %rem3A_238 : vector<16xi32>
      %ne3A_240 = arith.constant 0 : i32
      %ne3A_241 = vector.broadcast %ne3A_240 : i32 to vector<16xi32>
      %ne3A_242 = arith.cmpi ne, %rem3A_239, %ne3A_241 : vector<16xi32>
      %lt3A_243 = arith.constant 0 : i32
      %lt3A_244 = vector.broadcast %lt3A_243 : i32 to vector<16xi32>
      %lt3A_245 = arith.cmpi slt, %rem3A_239, %lt3A_244 : vector<16xi32>
      %lt3A_246 = arith.constant 0 : i32
      %lt3A_247 = arith.cmpi slt, %select_n3A_237, %lt3A_246 : i32
      %ne3A_248 = vector.broadcast %lt3A_247 : i1 to vector<16xi1>
      %ne3A_249 = vector.broadcast %ne3A_248 : vector<16xi1> to vector<16xi1>
      %ne3A_250 = arith.xori %lt3A_245, %ne3A_249 : vector<16xi1>
      %and3A_251 = arith.andi %ne3A_250, %ne3A_242 : vector<16xi1>
      %add3A_252 = vector.broadcast %select_n3A_237 : i32 to vector<16xi32>
      %add3A_253 = arith.addi %rem3A_239, %add3A_252 : vector<16xi32>
      %select_n3A_254 = arith.select %and3A_251, %add3A_253, %rem3A_239 : vector<16xi1>, vector<16xi32>
      %get3A_255 = arith.index_cast %mul3A_131 : i32 to index
      %get3A_256 = tpu.vector_load %arg8[%get3A_255] {strides = array<i32>} : memref<1536xi32, #tpu.memory_space<vmem>>, vector<16xi32>,
      tpu.vector_store_idx %arg12[%select_n3A_232, %select_n3A_254], %get3A_256 masked %and3A_142 : memref<12x128xi32, #tpu.memory_space<vmem>>[vector<16xi32>, vector<16xi32>], vector<16xi32>, vector<16xi1>
      %reduce_max3A = arith.constant true
      %reduce_max3A_257 = vector.broadcast %reduce_max3A : i1 to vector<16xi1>
      %reduce_max3A_258 = arith.constant -2147483648 : i32
      %reduce_max3A_259 = vector.broadcast %reduce_max3A_258 : i32 to vector<16xi32>
      %reduce_max3A_260 = arith.xori %masked_cumsum3A, %reduce_max3A_259 : vector<16xi32>
      %reduce_max3A_261 = tpu.scan <max>, %reduce_max3A_260 masked %reduce_max3A_257 : vector<16xi32>, vector<16xi1> -> vector<16xi32>
      %reduce_max3A_262 = arith.xori %reduce_max3A_261, %reduce_max3A_259 : vector<16xi32>
      %reduce_max3A_263 = vector.extract %reduce_max3A_262[15] : i32 from vector<16xi32>
      %add3A_264 = arith.addi %while3A_129, %reduce_max3A_263 : i32
      scf.yield %add3A_264 : i32
    }
    %gt3A = arith.constant 0 : i32
    %gt3A_52 = arith.cmpi sgt, %while3A_51, %gt3A : i32
    %convert_element_type3A = arith.extui %gt3A_52 : i1 to i32
    %cond3A = arith.constant 0 : i32
    %cond3A_53 = arith.cmpi ne, %convert_element_type3A, %cond3A : i32
    scf.if %cond3A_53 {
      %mul3A_128 = arith.constant 0 : i32
      %mul3A_129 = vector.broadcast %mul3A_128 : i32 to vector<16xi32>
      %mul3A_130 = arith.muli %iota3A, %mul3A_129 : vector<16xi32>
      %sub3A_131 = arith.constant 1 : i32
      %sub3A_132 = arith.subi %while3A_51, %sub3A_131 : i32
      %add3A_133 = vector.broadcast %sub3A_132 : i32 to vector<16xi32>
      %add3A_134 = arith.addi %mul3A_130, %add3A_133 : vector<16xi32>
      %jit3A_135 = arith.constant 128 : i32
      %div3A_136 = vector.broadcast %jit3A_135 : i32 to vector<16xi32>
      %div3A_137 = arith.divsi %add3A_134, %div3A_136 : vector<16xi32>
      %sign3A_138 = arith.constant 0 : i32
      %sign3A_139 = vector.broadcast %sign3A_138 : i32 to vector<16xi32>
      %sign3A_140 = arith.cmpi sgt, %add3A_134, %sign3A_139 : vector<16xi32>
      %sign3A_141 = arith.extui %sign3A_140 : vector<16xi1> to vector<16xi32>
      %sign3A_142 = arith.constant 0 : i32
      %sign3A_143 = vector.broadcast %sign3A_142 : i32 to vector<16xi32>
      %sign3A_144 = arith.cmpi slt, %add3A_134, %sign3A_143 : vector<16xi32>
      %sign3A_145 = arith.extui %sign3A_144 : vector<16xi1> to vector<16xi32>
      %sign3A_146 = arith.subi %sign3A_141, %sign3A_145 : vector<16xi32>
      %sign3A_147 = arith.constant 0 : i32
      %sign3A_148 = arith.cmpi sgt, %jit3A_135, %sign3A_147 : i32
      %sign3A_149 = arith.extui %sign3A_148 : i1 to i32
      %sign3A_150 = arith.constant 0 : i32
      %sign3A_151 = arith.cmpi slt, %jit3A_135, %sign3A_150 : i32
      %sign3A_152 = arith.extui %sign3A_151 : i1 to i32
      %sign3A_153 = arith.subi %sign3A_149, %sign3A_152 : i32
      %ne3A_154 = vector.broadcast %sign3A_153 : i32 to vector<16xi32>
      %ne3A_155 = arith.cmpi ne, %sign3A_146, %ne3A_154 : vector<16xi32>
      %rem3A_156 = vector.broadcast %jit3A_135 : i32 to vector<16xi32>
      %rem3A_157 = arith.remsi %add3A_134, %rem3A_156 : vector<16xi32>
      %ne3A_158 = arith.constant 0 : i32
      %ne3A_159 = vector.broadcast %ne3A_158 : i32 to vector<16xi32>
      %ne3A_160 = arith.cmpi ne, %rem3A_157, %ne3A_159 : vector<16xi32>
      %and3A_161 = arith.andi %ne3A_155, %ne3A_160 : vector<16xi1>
      %sub3A_162 = arith.constant 1 : i32
      %sub3A_163 = vector.broadcast %sub3A_162 : i32 to vector<16xi32>
      %sub3A_164 = arith.subi %div3A_137, %sub3A_163 : vector<16xi32>
      %select_n3A_165 = arith.select %and3A_161, %sub3A_164, %div3A_137 : vector<16xi1>, vector<16xi32>
      %jit3A_166 = arith.constant 128 : i32
      %eq3A = arith.constant 0 : i32
      %eq3A_167 = arith.cmpi eq, %jit3A_166, %eq3A : i32
      %jit3A_168 = arith.constant 1 : i32
      %select_n3A_169 = arith.select %eq3A_167, %jit3A_168, %jit3A_166 : i32
      %rem3A_170 = vector.broadcast %select_n3A_169 : i32 to vector<16xi32>
      %rem3A_171 = arith.remsi %add3A_134, %rem3A_170 : vector<16xi32>
      %ne3A_172 = arith.constant 0 : i32
      %ne3A_173 = vector.broadcast %ne3A_172 : i32 to vector<16xi32>
      %ne3A_174 = arith.cmpi ne, %rem3A_171, %ne3A_173 : vector<16xi32>
      %lt3A = arith.constant 0 : i32
      %lt3A_175 = vector.broadcast %lt3A : i32 to vector<16xi32>
      %lt3A_176 = arith.cmpi slt, %rem3A_171, %lt3A_175 : vector<16xi32>
      %lt3A_177 = arith.constant 0 : i32
      %lt3A_178 = arith.cmpi slt, %select_n3A_169, %lt3A_177 : i32
      %ne3A_179 = vector.broadcast %lt3A_178 : i1 to vector<16xi1>
      %ne3A_180 = vector.broadcast %ne3A_179 : vector<16xi1> to vector<16xi1>
      %ne3A_181 = arith.xori %lt3A_176, %ne3A_180 : vector<16xi1>
      %and3A_182 = arith.andi %ne3A_181, %ne3A_174 : vector<16xi1>
      %add3A_183 = vector.broadcast %select_n3A_169 : i32 to vector<16xi32>
      %add3A_184 = arith.addi %rem3A_171, %add3A_183 : vector<16xi32>
      %select_n3A_185 = arith.select %and3A_182, %add3A_184, %rem3A_171 : vector<16xi1>, vector<16xi32>
      %gather3A = tpu.vector_load_idx %arg11[%select_n3A_165, %select_n3A_185] : memref<12x128xi32, #tpu.memory_space<vmem>>[vector<16xi32>, vector<16xi32>], vector<16xi32>,
      %jit3A_186 = arith.constant 128 : i32
      %div3A_187 = vector.broadcast %jit3A_186 : i32 to vector<16xi32>
      %div3A_188 = arith.divsi %add3A_134, %div3A_187 : vector<16xi32>
      %sign3A_189 = arith.constant 0 : i32
      %sign3A_190 = vector.broadcast %sign3A_189 : i32 to vector<16xi32>
      %sign3A_191 = arith.cmpi sgt, %add3A_134, %sign3A_190 : vector<16xi32>
      %sign3A_192 = arith.extui %sign3A_191 : vector<16xi1> to vector<16xi32>
      %sign3A_193 = arith.constant 0 : i32
      %sign3A_194 = vector.broadcast %sign3A_193 : i32 to vector<16xi32>
      %sign3A_195 = arith.cmpi slt, %add3A_134, %sign3A_194 : vector<16xi32>
      %sign3A_196 = arith.extui %sign3A_195 : vector<16xi1> to vector<16xi32>
      %sign3A_197 = arith.subi %sign3A_192, %sign3A_196 : vector<16xi32>
      %sign3A_198 = arith.constant 0 : i32
      %sign3A_199 = arith.cmpi sgt, %jit3A_186, %sign3A_198 : i32
      %sign3A_200 = arith.extui %sign3A_199 : i1 to i32
      %sign3A_201 = arith.constant 0 : i32
      %sign3A_202 = arith.cmpi slt, %jit3A_186, %sign3A_201 : i32
      %sign3A_203 = arith.extui %sign3A_202 : i1 to i32
      %sign3A_204 = arith.subi %sign3A_200, %sign3A_203 : i32
      %ne3A_205 = vector.broadcast %sign3A_204 : i32 to vector<16xi32>
      %ne3A_206 = arith.cmpi ne, %sign3A_197, %ne3A_205 : vector<16xi32>
      %rem3A_207 = vector.broadcast %jit3A_186 : i32 to vector<16xi32>
      %rem3A_208 = arith.remsi %add3A_134, %rem3A_207 : vector<16xi32>
      %ne3A_209 = arith.constant 0 : i32
      %ne3A_210 = vector.broadcast %ne3A_209 : i32 to vector<16xi32>
      %ne3A_211 = arith.cmpi ne, %rem3A_208, %ne3A_210 : vector<16xi32>
      %and3A_212 = arith.andi %ne3A_206, %ne3A_211 : vector<16xi1>
      %sub3A_213 = arith.constant 1 : i32
      %sub3A_214 = vector.broadcast %sub3A_213 : i32 to vector<16xi32>
      %sub3A_215 = arith.subi %div3A_188, %sub3A_214 : vector<16xi32>
      %select_n3A_216 = arith.select %and3A_212, %sub3A_215, %div3A_188 : vector<16xi1>, vector<16xi32>
      %jit3A_217 = arith.constant 128 : i32
      %eq3A_218 = arith.constant 0 : i32
      %eq3A_219 = arith.cmpi eq, %jit3A_217, %eq3A_218 : i32
      %jit3A_220 = arith.constant 1 : i32
      %select_n3A_221 = arith.select %eq3A_219, %jit3A_220, %jit3A_217 : i32
      %rem3A_222 = vector.broadcast %select_n3A_221 : i32 to vector<16xi32>
      %rem3A_223 = arith.remsi %add3A_134, %rem3A_222 : vector<16xi32>
      %ne3A_224 = arith.constant 0 : i32
      %ne3A_225 = vector.broadcast %ne3A_224 : i32 to vector<16xi32>
      %ne3A_226 = arith.cmpi ne, %rem3A_223, %ne3A_225 : vector<16xi32>
      %lt3A_227 = arith.constant 0 : i32
      %lt3A_228 = vector.broadcast %lt3A_227 : i32 to vector<16xi32>
      %lt3A_229 = arith.cmpi slt, %rem3A_223, %lt3A_228 : vector<16xi32>
      %lt3A_230 = arith.constant 0 : i32
      %lt3A_231 = arith.cmpi slt, %select_n3A_221, %lt3A_230 : i32
      %ne3A_232 = vector.broadcast %lt3A_231 : i1 to vector<16xi1>
      %ne3A_233 = vector.broadcast %ne3A_232 : vector<16xi1> to vector<16xi1>
      %ne3A_234 = arith.xori %lt3A_229, %ne3A_233 : vector<16xi1>
      %and3A_235 = arith.andi %ne3A_234, %ne3A_226 : vector<16xi1>
      %add3A_236 = vector.broadcast %select_n3A_221 : i32 to vector<16xi32>
      %add3A_237 = arith.addi %rem3A_223, %add3A_236 : vector<16xi32>
      %select_n3A_238 = arith.select %and3A_235, %add3A_237, %rem3A_223 : vector<16xi1>, vector<16xi32>
      %gather3A_239 = tpu.vector_load_idx %arg12[%select_n3A_216, %select_n3A_238] : memref<12x128xi32, #tpu.memory_space<vmem>>[vector<16xi32>, vector<16xi32>], vector<16xi32>,
      %add3A_240 = arith.constant 0 : i32
      %add3A_241 = arith.addi %while3A_51, %add3A_240 : i32
      %add3A_242 = vector.broadcast %add3A_241 : i32 to vector<16xi32>
      %add3A_243 = arith.addi %add3A_242, %iota3A : vector<16xi32>
      %jit3A_244 = arith.constant 128 : i32
      %div3A_245 = vector.broadcast %jit3A_244 : i32 to vector<16xi32>
      %div3A_246 = arith.divsi %add3A_243, %div3A_245 : vector<16xi32>
      %sign3A_247 = arith.constant 0 : i32
      %sign3A_248 = vector.broadcast %sign3A_247 : i32 to vector<16xi32>
      %sign3A_249 = arith.cmpi sgt, %add3A_243, %sign3A_248 : vector<16xi32>
      %sign3A_250 = arith.extui %sign3A_249 : vector<16xi1> to vector<16xi32>
      %sign3A_251 = arith.constant 0 : i32
      %sign3A_252 = vector.broadcast %sign3A_251 : i32 to vector<16xi32>
      %sign3A_253 = arith.cmpi slt, %add3A_243, %sign3A_252 : vector<16xi32>
      %sign3A_254 = arith.extui %sign3A_253 : vector<16xi1> to vector<16xi32>
      %sign3A_255 = arith.subi %sign3A_250, %sign3A_254 : vector<16xi32>
      %sign3A_256 = arith.constant 0 : i32
      %sign3A_257 = arith.cmpi sgt, %jit3A_244, %sign3A_256 : i32
      %sign3A_258 = arith.extui %sign3A_257 : i1 to i32
      %sign3A_259 = arith.constant 0 : i32
      %sign3A_260 = arith.cmpi slt, %jit3A_244, %sign3A_259 : i32
      %sign3A_261 = arith.extui %sign3A_260 : i1 to i32
      %sign3A_262 = arith.subi %sign3A_258, %sign3A_261 : i32
      %ne3A_263 = vector.broadcast %sign3A_262 : i32 to vector<16xi32>
      %ne3A_264 = arith.cmpi ne, %sign3A_255, %ne3A_263 : vector<16xi32>
      %rem3A_265 = vector.broadcast %jit3A_244 : i32 to vector<16xi32>
      %rem3A_266 = arith.remsi %add3A_243, %rem3A_265 : vector<16xi32>
      %ne3A_267 = arith.constant 0 : i32
      %ne3A_268 = vector.broadcast %ne3A_267 : i32 to vector<16xi32>
      %ne3A_269 = arith.cmpi ne, %rem3A_266, %ne3A_268 : vector<16xi32>
      %and3A_270 = arith.andi %ne3A_264, %ne3A_269 : vector<16xi1>
      %sub3A_271 = arith.constant 1 : i32
      %sub3A_272 = vector.broadcast %sub3A_271 : i32 to vector<16xi32>
      %sub3A_273 = arith.subi %div3A_246, %sub3A_272 : vector<16xi32>
      %select_n3A_274 = arith.select %and3A_270, %sub3A_273, %div3A_246 : vector<16xi1>, vector<16xi32>
      %jit3A_275 = arith.constant 128 : i32
      %eq3A_276 = arith.constant 0 : i32
      %eq3A_277 = arith.cmpi eq, %jit3A_275, %eq3A_276 : i32
      %jit3A_278 = arith.constant 1 : i32
      %select_n3A_279 = arith.select %eq3A_277, %jit3A_278, %jit3A_275 : i32
      %rem3A_280 = vector.broadcast %select_n3A_279 : i32 to vector<16xi32>
      %rem3A_281 = arith.remsi %add3A_243, %rem3A_280 : vector<16xi32>
      %ne3A_282 = arith.constant 0 : i32
      %ne3A_283 = vector.broadcast %ne3A_282 : i32 to vector<16xi32>
      %ne3A_284 = arith.cmpi ne, %rem3A_281, %ne3A_283 : vector<16xi32>
      %lt3A_285 = arith.constant 0 : i32
      %lt3A_286 = vector.broadcast %lt3A_285 : i32 to vector<16xi32>
      %lt3A_287 = arith.cmpi slt, %rem3A_281, %lt3A_286 : vector<16xi32>
      %lt3A_288 = arith.constant 0 : i32
      %lt3A_289 = arith.cmpi slt, %select_n3A_279, %lt3A_288 : i32
      %ne3A_290 = vector.broadcast %lt3A_289 : i1 to vector<16xi1>
      %ne3A_291 = vector.broadcast %ne3A_290 : vector<16xi1> to vector<16xi1>
      %ne3A_292 = arith.xori %lt3A_287, %ne3A_291 : vector<16xi1>
      %and3A_293 = arith.andi %ne3A_292, %ne3A_284 : vector<16xi1>
      %add3A_294 = vector.broadcast %select_n3A_279 : i32 to vector<16xi32>
      %add3A_295 = arith.addi %rem3A_281, %add3A_294 : vector<16xi32>
      %select_n3A_296 = arith.select %and3A_293, %add3A_295, %rem3A_281 : vector<16xi1>, vector<16xi32>
      tpu.vector_store_idx %arg11[%select_n3A_274, %select_n3A_296], %gather3A : memref<12x128xi32, #tpu.memory_space<vmem>>[vector<16xi32>, vector<16xi32>], vector<16xi32>,
      %jit3A_297 = arith.constant 128 : i32
      %div3A_298 = vector.broadcast %jit3A_297 : i32 to vector<16xi32>
      %div3A_299 = arith.divsi %add3A_243, %div3A_298 : vector<16xi32>
      %sign3A_300 = arith.constant 0 : i32
      %sign3A_301 = vector.broadcast %sign3A_300 : i32 to vector<16xi32>
      %sign3A_302 = arith.cmpi sgt, %add3A_243, %sign3A_301 : vector<16xi32>
      %sign3A_303 = arith.extui %sign3A_302 : vector<16xi1> to vector<16xi32>
      %sign3A_304 = arith.constant 0 : i32
      %sign3A_305 = vector.broadcast %sign3A_304 : i32 to vector<16xi32>
      %sign3A_306 = arith.cmpi slt, %add3A_243, %sign3A_305 : vector<16xi32>
      %sign3A_307 = arith.extui %sign3A_306 : vector<16xi1> to vector<16xi32>
      %sign3A_308 = arith.subi %sign3A_303, %sign3A_307 : vector<16xi32>
      %sign3A_309 = arith.constant 0 : i32
      %sign3A_310 = arith.cmpi sgt, %jit3A_297, %sign3A_309 : i32
      %sign3A_311 = arith.extui %sign3A_310 : i1 to i32
      %sign3A_312 = arith.constant 0 : i32
      %sign3A_313 = arith.cmpi slt, %jit3A_297, %sign3A_312 : i32
      %sign3A_314 = arith.extui %sign3A_313 : i1 to i32
      %sign3A_315 = arith.subi %sign3A_311, %sign3A_314 : i32
      %ne3A_316 = vector.broadcast %sign3A_315 : i32 to vector<16xi32>
      %ne3A_317 = arith.cmpi ne, %sign3A_308, %ne3A_316 : vector<16xi32>
      %rem3A_318 = vector.broadcast %jit3A_297 : i32 to vector<16xi32>
      %rem3A_319 = arith.remsi %add3A_243, %rem3A_318 : vector<16xi32>
      %ne3A_320 = arith.constant 0 : i32
      %ne3A_321 = vector.broadcast %ne3A_320 : i32 to vector<16xi32>
      %ne3A_322 = arith.cmpi ne, %rem3A_319, %ne3A_321 : vector<16xi32>
      %and3A_323 = arith.andi %ne3A_317, %ne3A_322 : vector<16xi1>
      %sub3A_324 = arith.constant 1 : i32
      %sub3A_325 = vector.broadcast %sub3A_324 : i32 to vector<16xi32>
      %sub3A_326 = arith.subi %div3A_299, %sub3A_325 : vector<16xi32>
      %select_n3A_327 = arith.select %and3A_323, %sub3A_326, %div3A_299 : vector<16xi1>, vector<16xi32>
      %jit3A_328 = arith.constant 128 : i32
      %eq3A_329 = arith.constant 0 : i32
      %eq3A_330 = arith.cmpi eq, %jit3A_328, %eq3A_329 : i32
      %jit3A_331 = arith.constant 1 : i32
      %select_n3A_332 = arith.select %eq3A_330, %jit3A_331, %jit3A_328 : i32
      %rem3A_333 = vector.broadcast %select_n3A_332 : i32 to vector<16xi32>
      %rem3A_334 = arith.remsi %add3A_243, %rem3A_333 : vector<16xi32>
      %ne3A_335 = arith.constant 0 : i32
      %ne3A_336 = vector.broadcast %ne3A_335 : i32 to vector<16xi32>
      %ne3A_337 = arith.cmpi ne, %rem3A_334, %ne3A_336 : vector<16xi32>
      %lt3A_338 = arith.constant 0 : i32
      %lt3A_339 = vector.broadcast %lt3A_338 : i32 to vector<16xi32>
      %lt3A_340 = arith.cmpi slt, %rem3A_334, %lt3A_339 : vector<16xi32>
      %lt3A_341 = arith.constant 0 : i32
      %lt3A_342 = arith.cmpi slt, %select_n3A_332, %lt3A_341 : i32
      %ne3A_343 = vector.broadcast %lt3A_342 : i1 to vector<16xi1>
      %ne3A_344 = vector.broadcast %ne3A_343 : vector<16xi1> to vector<16xi1>
      %ne3A_345 = arith.xori %lt3A_340, %ne3A_344 : vector<16xi1>
      %and3A_346 = arith.andi %ne3A_345, %ne3A_337 : vector<16xi1>
      %add3A_347 = vector.broadcast %select_n3A_332 : i32 to vector<16xi32>
      %add3A_348 = arith.addi %rem3A_334, %add3A_347 : vector<16xi32>
      %select_n3A_349 = arith.select %and3A_346, %add3A_348, %rem3A_334 : vector<16xi1>, vector<16xi32>
      tpu.vector_store_idx %arg12[%select_n3A_327, %select_n3A_349], %gather3A_239 : memref<12x128xi32, #tpu.memory_space<vmem>>[vector<16xi32>, vector<16xi32>], vector<16xi32>,
      %add3A_350 = arith.constant 16 : i32
      %add3A_351 = arith.addi %while3A_51, %add3A_350 : i32
      %add3A_352 = vector.broadcast %add3A_351 : i32 to vector<16xi32>
      %add3A_353 = arith.addi %add3A_352, %iota3A : vector<16xi32>
      %jit3A_354 = arith.constant 128 : i32
      %div3A_355 = vector.broadcast %jit3A_354 : i32 to vector<16xi32>
      %div3A_356 = arith.divsi %add3A_353, %div3A_355 : vector<16xi32>
      %sign3A_357 = arith.constant 0 : i32
      %sign3A_358 = vector.broadcast %sign3A_357 : i32 to vector<16xi32>
      %sign3A_359 = arith.cmpi sgt, %add3A_353, %sign3A_358 : vector<16xi32>
      %sign3A_360 = arith.extui %sign3A_359 : vector<16xi1> to vector<16xi32>
      %sign3A_361 = arith.constant 0 : i32
      %sign3A_362 = vector.broadcast %sign3A_361 : i32 to vector<16xi32>
      %sign3A_363 = arith.cmpi slt, %add3A_353, %sign3A_362 : vector<16xi32>
      %sign3A_364 = arith.extui %sign3A_363 : vector<16xi1> to vector<16xi32>
      %sign3A_365 = arith.subi %sign3A_360, %sign3A_364 : vector<16xi32>
      %sign3A_366 = arith.constant 0 : i32
      %sign3A_367 = arith.cmpi sgt, %jit3A_354, %sign3A_366 : i32
      %sign3A_368 = arith.extui %sign3A_367 : i1 to i32
      %sign3A_369 = arith.constant 0 : i32
      %sign3A_370 = arith.cmpi slt, %jit3A_354, %sign3A_369 : i32
      %sign3A_371 = arith.extui %sign3A_370 : i1 to i32
      %sign3A_372 = arith.subi %sign3A_368, %sign3A_371 : i32
      %ne3A_373 = vector.broadcast %sign3A_372 : i32 to vector<16xi32>
      %ne3A_374 = arith.cmpi ne, %sign3A_365, %ne3A_373 : vector<16xi32>
      %rem3A_375 = vector.broadcast %jit3A_354 : i32 to vector<16xi32>
      %rem3A_376 = arith.remsi %add3A_353, %rem3A_375 : vector<16xi32>
      %ne3A_377 = arith.constant 0 : i32
      %ne3A_378 = vector.broadcast %ne3A_377 : i32 to vector<16xi32>
      %ne3A_379 = arith.cmpi ne, %rem3A_376, %ne3A_378 : vector<16xi32>
      %and3A_380 = arith.andi %ne3A_374, %ne3A_379 : vector<16xi1>
      %sub3A_381 = arith.constant 1 : i32
      %sub3A_382 = vector.broadcast %sub3A_381 : i32 to vector<16xi32>
      %sub3A_383 = arith.subi %div3A_356, %sub3A_382 : vector<16xi32>
      %select_n3A_384 = arith.select %and3A_380, %sub3A_383, %div3A_356 : vector<16xi1>, vector<16xi32>
      %jit3A_385 = arith.constant 128 : i32
      %eq3A_386 = arith.constant 0 : i32
      %eq3A_387 = arith.cmpi eq, %jit3A_385, %eq3A_386 : i32
      %jit3A_388 = arith.constant 1 : i32
      %select_n3A_389 = arith.select %eq3A_387, %jit3A_388, %jit3A_385 : i32
      %rem3A_390 = vector.broadcast %select_n3A_389 : i32 to vector<16xi32>
      %rem3A_391 = arith.remsi %add3A_353, %rem3A_390 : vector<16xi32>
      %ne3A_392 = arith.constant 0 : i32
      %ne3A_393 = vector.broadcast %ne3A_392 : i32 to vector<16xi32>
      %ne3A_394 = arith.cmpi ne, %rem3A_391, %ne3A_393 : vector<16xi32>
      %lt3A_395 = arith.constant 0 : i32
      %lt3A_396 = vector.broadcast %lt3A_395 : i32 to vector<16xi32>
      %lt3A_397 = arith.cmpi slt, %rem3A_391, %lt3A_396 : vector<16xi32>
      %lt3A_398 = arith.constant 0 : i32
      %lt3A_399 = arith.cmpi slt, %select_n3A_389, %lt3A_398 : i32
      %ne3A_400 = vector.broadcast %lt3A_399 : i1 to vector<16xi1>
      %ne3A_401 = vector.broadcast %ne3A_400 : vector<16xi1> to vector<16xi1>
      %ne3A_402 = arith.xori %lt3A_397, %ne3A_401 : vector<16xi1>
      %and3A_403 = arith.andi %ne3A_402, %ne3A_394 : vector<16xi1>
      %add3A_404 = vector.broadcast %select_n3A_389 : i32 to vector<16xi32>
      %add3A_405 = arith.addi %rem3A_391, %add3A_404 : vector<16xi32>
      %select_n3A_406 = arith.select %and3A_403, %add3A_405, %rem3A_391 : vector<16xi1>, vector<16xi32>
      tpu.vector_store_idx %arg11[%select_n3A_384, %select_n3A_406], %gather3A : memref<12x128xi32, #tpu.memory_space<vmem>>[vector<16xi32>, vector<16xi32>], vector<16xi32>,
      %jit3A_407 = arith.constant 128 : i32
      %div3A_408 = vector.broadcast %jit3A_407 : i32 to vector<16xi32>
      %div3A_409 = arith.divsi %add3A_353, %div3A_408 : vector<16xi32>
      %sign3A_410 = arith.constant 0 : i32
      %sign3A_411 = vector.broadcast %sign3A_410 : i32 to vector<16xi32>
      %sign3A_412 = arith.cmpi sgt, %add3A_353, %sign3A_411 : vector<16xi32>
      %sign3A_413 = arith.extui %sign3A_412 : vector<16xi1> to vector<16xi32>
      %sign3A_414 = arith.constant 0 : i32
      %sign3A_415 = vector.broadcast %sign3A_414 : i32 to vector<16xi32>
      %sign3A_416 = arith.cmpi slt, %add3A_353, %sign3A_415 : vector<16xi32>
      %sign3A_417 = arith.extui %sign3A_416 : vector<16xi1> to vector<16xi32>
      %sign3A_418 = arith.subi %sign3A_413, %sign3A_417 : vector<16xi32>
      %sign3A_419 = arith.constant 0 : i32
      %sign3A_420 = arith.cmpi sgt, %jit3A_407, %sign3A_419 : i32
      %sign3A_421 = arith.extui %sign3A_420 : i1 to i32
      %sign3A_422 = arith.constant 0 : i32
      %sign3A_423 = arith.cmpi slt, %jit3A_407, %sign3A_422 : i32
      %sign3A_424 = arith.extui %sign3A_423 : i1 to i32
      %sign3A_425 = arith.subi %sign3A_421, %sign3A_424 : i32
      %ne3A_426 = vector.broadcast %sign3A_425 : i32 to vector<16xi32>
      %ne3A_427 = arith.cmpi ne, %sign3A_418, %ne3A_426 : vector<16xi32>
      %rem3A_428 = vector.broadcast %jit3A_407 : i32 to vector<16xi32>
      %rem3A_429 = arith.remsi %add3A_353, %rem3A_428 : vector<16xi32>
      %ne3A_430 = arith.constant 0 : i32
      %ne3A_431 = vector.broadcast %ne3A_430 : i32 to vector<16xi32>
      %ne3A_432 = arith.cmpi ne, %rem3A_429, %ne3A_431 : vector<16xi32>
      %and3A_433 = arith.andi %ne3A_427, %ne3A_432 : vector<16xi1>
      %sub3A_434 = arith.constant 1 : i32
      %sub3A_435 = vector.broadcast %sub3A_434 : i32 to vector<16xi32>
      %sub3A_436 = arith.subi %div3A_409, %sub3A_435 : vector<16xi32>
      %select_n3A_437 = arith.select %and3A_433, %sub3A_436, %div3A_409 : vector<16xi1>, vector<16xi32>
      %jit3A_438 = arith.constant 128 : i32
      %eq3A_439 = arith.constant 0 : i32
      %eq3A_440 = arith.cmpi eq, %jit3A_438, %eq3A_439 : i32
      %jit3A_441 = arith.constant 1 : i32
      %select_n3A_442 = arith.select %eq3A_440, %jit3A_441, %jit3A_438 : i32
      %rem3A_443 = vector.broadcast %select_n3A_442 : i32 to vector<16xi32>
      %rem3A_444 = arith.remsi %add3A_353, %rem3A_443 : vector<16xi32>
      %ne3A_445 = arith.constant 0 : i32
      %ne3A_446 = vector.broadcast %ne3A_445 : i32 to vector<16xi32>
      %ne3A_447 = arith.cmpi ne, %rem3A_444, %ne3A_446 : vector<16xi32>
      %lt3A_448 = arith.constant 0 : i32
      %lt3A_449 = vector.broadcast %lt3A_448 : i32 to vector<16xi32>
      %lt3A_450 = arith.cmpi slt, %rem3A_444, %lt3A_449 : vector<16xi32>
      %lt3A_451 = arith.constant 0 : i32
      %lt3A_452 = arith.cmpi slt, %select_n3A_442, %lt3A_451 : i32
      %ne3A_453 = vector.broadcast %lt3A_452 : i1 to vector<16xi1>
      %ne3A_454 = vector.broadcast %ne3A_453 : vector<16xi1> to vector<16xi1>
      %ne3A_455 = arith.xori %lt3A_450, %ne3A_454 : vector<16xi1>
      %and3A_456 = arith.andi %ne3A_455, %ne3A_447 : vector<16xi1>
      %add3A_457 = vector.broadcast %select_n3A_442 : i32 to vector<16xi32>
      %add3A_458 = arith.addi %rem3A_444, %add3A_457 : vector<16xi32>
      %select_n3A_459 = arith.select %and3A_456, %add3A_458, %rem3A_444 : vector<16xi1>, vector<16xi32>
      tpu.vector_store_idx %arg12[%select_n3A_437, %select_n3A_459], %gather3A_239 : memref<12x128xi32, #tpu.memory_space<vmem>>[vector<16xi32>, vector<16xi32>], vector<16xi32>,
      %add3A_460 = arith.constant 32 : i32
      %add3A_461 = arith.addi %while3A_51, %add3A_460 : i32
      %add3A_462 = vector.broadcast %add3A_461 : i32 to vector<16xi32>
      %add3A_463 = arith.addi %add3A_462, %iota3A : vector<16xi32>
      %jit3A_464 = arith.constant 128 : i32
      %div3A_465 = vector.broadcast %jit3A_464 : i32 to vector<16xi32>
      %div3A_466 = arith.divsi %add3A_463, %div3A_465 : vector<16xi32>
      %sign3A_467 = arith.constant 0 : i32
      %sign3A_468 = vector.broadcast %sign3A_467 : i32 to vector<16xi32>
      %sign3A_469 = arith.cmpi sgt, %add3A_463, %sign3A_468 : vector<16xi32>
      %sign3A_470 = arith.extui %sign3A_469 : vector<16xi1> to vector<16xi32>
      %sign3A_471 = arith.constant 0 : i32
      %sign3A_472 = vector.broadcast %sign3A_471 : i32 to vector<16xi32>
      %sign3A_473 = arith.cmpi slt, %add3A_463, %sign3A_472 : vector<16xi32>
      %sign3A_474 = arith.extui %sign3A_473 : vector<16xi1> to vector<16xi32>
      %sign3A_475 = arith.subi %sign3A_470, %sign3A_474 : vector<16xi32>
      %sign3A_476 = arith.constant 0 : i32
      %sign3A_477 = arith.cmpi sgt, %jit3A_464, %sign3A_476 : i32
      %sign3A_478 = arith.extui %sign3A_477 : i1 to i32
      %sign3A_479 = arith.constant 0 : i32
      %sign3A_480 = arith.cmpi slt, %jit3A_464, %sign3A_479 : i32
      %sign3A_481 = arith.extui %sign3A_480 : i1 to i32
      %sign3A_482 = arith.subi %sign3A_478, %sign3A_481 : i32
      %ne3A_483 = vector.broadcast %sign3A_482 : i32 to vector<16xi32>
      %ne3A_484 = arith.cmpi ne, %sign3A_475, %ne3A_483 : vector<16xi32>
      %rem3A_485 = vector.broadcast %jit3A_464 : i32 to vector<16xi32>
      %rem3A_486 = arith.remsi %add3A_463, %rem3A_485 : vector<16xi32>
      %ne3A_487 = arith.constant 0 : i32
      %ne3A_488 = vector.broadcast %ne3A_487 : i32 to vector<16xi32>
      %ne3A_489 = arith.cmpi ne, %rem3A_486, %ne3A_488 : vector<16xi32>
      %and3A_490 = arith.andi %ne3A_484, %ne3A_489 : vector<16xi1>
      %sub3A_491 = arith.constant 1 : i32
      %sub3A_492 = vector.broadcast %sub3A_491 : i32 to vector<16xi32>
      %sub3A_493 = arith.subi %div3A_466, %sub3A_492 : vector<16xi32>
      %select_n3A_494 = arith.select %and3A_490, %sub3A_493, %div3A_466 : vector<16xi1>, vector<16xi32>
      %jit3A_495 = arith.constant 128 : i32
      %eq3A_496 = arith.constant 0 : i32
      %eq3A_497 = arith.cmpi eq, %jit3A_495, %eq3A_496 : i32
      %jit3A_498 = arith.constant 1 : i32
      %select_n3A_499 = arith.select %eq3A_497, %jit3A_498, %jit3A_495 : i32
      %rem3A_500 = vector.broadcast %select_n3A_499 : i32 to vector<16xi32>
      %rem3A_501 = arith.remsi %add3A_463, %rem3A_500 : vector<16xi32>
      %ne3A_502 = arith.constant 0 : i32
      %ne3A_503 = vector.broadcast %ne3A_502 : i32 to vector<16xi32>
      %ne3A_504 = arith.cmpi ne, %rem3A_501, %ne3A_503 : vector<16xi32>
      %lt3A_505 = arith.constant 0 : i32
      %lt3A_506 = vector.broadcast %lt3A_505 : i32 to vector<16xi32>
      %lt3A_507 = arith.cmpi slt, %rem3A_501, %lt3A_506 : vector<16xi32>
      %lt3A_508 = arith.constant 0 : i32
      %lt3A_509 = arith.cmpi slt, %select_n3A_499, %lt3A_508 : i32
      %ne3A_510 = vector.broadcast %lt3A_509 : i1 to vector<16xi1>
      %ne3A_511 = vector.broadcast %ne3A_510 : vector<16xi1> to vector<16xi1>
      %ne3A_512 = arith.xori %lt3A_507, %ne3A_511 : vector<16xi1>
      %and3A_513 = arith.andi %ne3A_512, %ne3A_504 : vector<16xi1>
      %add3A_514 = vector.broadcast %select_n3A_499 : i32 to vector<16xi32>
      %add3A_515 = arith.addi %rem3A_501, %add3A_514 : vector<16xi32>
      %select_n3A_516 = arith.select %and3A_513, %add3A_515, %rem3A_501 : vector<16xi1>, vector<16xi32>
      tpu.vector_store_idx %arg11[%select_n3A_494, %select_n3A_516], %gather3A : memref<12x128xi32, #tpu.memory_space<vmem>>[vector<16xi32>, vector<16xi32>], vector<16xi32>,
      %jit3A_517 = arith.constant 128 : i32
      %div3A_518 = vector.broadcast %jit3A_517 : i32 to vector<16xi32>
      %div3A_519 = arith.divsi %add3A_463, %div3A_518 : vector<16xi32>
      %sign3A_520 = arith.constant 0 : i32
      %sign3A_521 = vector.broadcast %sign3A_520 : i32 to vector<16xi32>
      %sign3A_522 = arith.cmpi sgt, %add3A_463, %sign3A_521 : vector<16xi32>
      %sign3A_523 = arith.extui %sign3A_522 : vector<16xi1> to vector<16xi32>
      %sign3A_524 = arith.constant 0 : i32
      %sign3A_525 = vector.broadcast %sign3A_524 : i32 to vector<16xi32>
      %sign3A_526 = arith.cmpi slt, %add3A_463, %sign3A_525 : vector<16xi32>
      %sign3A_527 = arith.extui %sign3A_526 : vector<16xi1> to vector<16xi32>
      %sign3A_528 = arith.subi %sign3A_523, %sign3A_527 : vector<16xi32>
      %sign3A_529 = arith.constant 0 : i32
      %sign3A_530 = arith.cmpi sgt, %jit3A_517, %sign3A_529 : i32
      %sign3A_531 = arith.extui %sign3A_530 : i1 to i32
      %sign3A_532 = arith.constant 0 : i32
      %sign3A_533 = arith.cmpi slt, %jit3A_517, %sign3A_532 : i32
      %sign3A_534 = arith.extui %sign3A_533 : i1 to i32
      %sign3A_535 = arith.subi %sign3A_531, %sign3A_534 : i32
      %ne3A_536 = vector.broadcast %sign3A_535 : i32 to vector<16xi32>
      %ne3A_537 = arith.cmpi ne, %sign3A_528, %ne3A_536 : vector<16xi32>
      %rem3A_538 = vector.broadcast %jit3A_517 : i32 to vector<16xi32>
      %rem3A_539 = arith.remsi %add3A_463, %rem3A_538 : vector<16xi32>
      %ne3A_540 = arith.constant 0 : i32
      %ne3A_541 = vector.broadcast %ne3A_540 : i32 to vector<16xi32>
      %ne3A_542 = arith.cmpi ne, %rem3A_539, %ne3A_541 : vector<16xi32>
      %and3A_543 = arith.andi %ne3A_537, %ne3A_542 : vector<16xi1>
      %sub3A_544 = arith.constant 1 : i32
      %sub3A_545 = vector.broadcast %sub3A_544 : i32 to vector<16xi32>
      %sub3A_546 = arith.subi %div3A_519, %sub3A_545 : vector<16xi32>
      %select_n3A_547 = arith.select %and3A_543, %sub3A_546, %div3A_519 : vector<16xi1>, vector<16xi32>
      %jit3A_548 = arith.constant 128 : i32
      %eq3A_549 = arith.constant 0 : i32
      %eq3A_550 = arith.cmpi eq, %jit3A_548, %eq3A_549 : i32
      %jit3A_551 = arith.constant 1 : i32
      %select_n3A_552 = arith.select %eq3A_550, %jit3A_551, %jit3A_548 : i32
      %rem3A_553 = vector.broadcast %select_n3A_552 : i32 to vector<16xi32>
      %rem3A_554 = arith.remsi %add3A_463, %rem3A_553 : vector<16xi32>
      %ne3A_555 = arith.constant 0 : i32
      %ne3A_556 = vector.broadcast %ne3A_555 : i32 to vector<16xi32>
      %ne3A_557 = arith.cmpi ne, %rem3A_554, %ne3A_556 : vector<16xi32>
      %lt3A_558 = arith.constant 0 : i32
      %lt3A_559 = vector.broadcast %lt3A_558 : i32 to vector<16xi32>
      %lt3A_560 = arith.cmpi slt, %rem3A_554, %lt3A_559 : vector<16xi32>
      %lt3A_561 = arith.constant 0 : i32
      %lt3A_562 = arith.cmpi slt, %select_n3A_552, %lt3A_561 : i32
      %ne3A_563 = vector.broadcast %lt3A_562 : i1 to vector<16xi1>
      %ne3A_564 = vector.broadcast %ne3A_563 : vector<16xi1> to vector<16xi1>
      %ne3A_565 = arith.xori %lt3A_560, %ne3A_564 : vector<16xi1>
      %and3A_566 = arith.andi %ne3A_565, %ne3A_557 : vector<16xi1>
      %add3A_567 = vector.broadcast %select_n3A_552 : i32 to vector<16xi32>
      %add3A_568 = arith.addi %rem3A_554, %add3A_567 : vector<16xi32>
      %select_n3A_569 = arith.select %and3A_566, %add3A_568, %rem3A_554 : vector<16xi1>, vector<16xi32>
      tpu.vector_store_idx %arg12[%select_n3A_547, %select_n3A_569], %gather3A_239 : memref<12x128xi32, #tpu.memory_space<vmem>>[vector<16xi32>, vector<16xi32>], vector<16xi32>,
      %add3A_570 = arith.constant 48 : i32
      %add3A_571 = arith.addi %while3A_51, %add3A_570 : i32
      %add3A_572 = vector.broadcast %add3A_571 : i32 to vector<16xi32>
      %add3A_573 = arith.addi %add3A_572, %iota3A : vector<16xi32>
      %jit3A_574 = arith.constant 128 : i32
      %div3A_575 = vector.broadcast %jit3A_574 : i32 to vector<16xi32>
      %div3A_576 = arith.divsi %add3A_573, %div3A_575 : vector<16xi32>
      %sign3A_577 = arith.constant 0 : i32
      %sign3A_578 = vector.broadcast %sign3A_577 : i32 to vector<16xi32>
      %sign3A_579 = arith.cmpi sgt, %add3A_573, %sign3A_578 : vector<16xi32>
      %sign3A_580 = arith.extui %sign3A_579 : vector<16xi1> to vector<16xi32>
      %sign3A_581 = arith.constant 0 : i32
      %sign3A_582 = vector.broadcast %sign3A_581 : i32 to vector<16xi32>
      %sign3A_583 = arith.cmpi slt, %add3A_573, %sign3A_582 : vector<16xi32>
      %sign3A_584 = arith.extui %sign3A_583 : vector<16xi1> to vector<16xi32>
      %sign3A_585 = arith.subi %sign3A_580, %sign3A_584 : vector<16xi32>
      %sign3A_586 = arith.constant 0 : i32
      %sign3A_587 = arith.cmpi sgt, %jit3A_574, %sign3A_586 : i32
      %sign3A_588 = arith.extui %sign3A_587 : i1 to i32
      %sign3A_589 = arith.constant 0 : i32
      %sign3A_590 = arith.cmpi slt, %jit3A_574, %sign3A_589 : i32
      %sign3A_591 = arith.extui %sign3A_590 : i1 to i32
      %sign3A_592 = arith.subi %sign3A_588, %sign3A_591 : i32
      %ne3A_593 = vector.broadcast %sign3A_592 : i32 to vector<16xi32>
      %ne3A_594 = arith.cmpi ne, %sign3A_585, %ne3A_593 : vector<16xi32>
      %rem3A_595 = vector.broadcast %jit3A_574 : i32 to vector<16xi32>
      %rem3A_596 = arith.remsi %add3A_573, %rem3A_595 : vector<16xi32>
      %ne3A_597 = arith.constant 0 : i32
      %ne3A_598 = vector.broadcast %ne3A_597 : i32 to vector<16xi32>
      %ne3A_599 = arith.cmpi ne, %rem3A_596, %ne3A_598 : vector<16xi32>
      %and3A_600 = arith.andi %ne3A_594, %ne3A_599 : vector<16xi1>
      %sub3A_601 = arith.constant 1 : i32
      %sub3A_602 = vector.broadcast %sub3A_601 : i32 to vector<16xi32>
      %sub3A_603 = arith.subi %div3A_576, %sub3A_602 : vector<16xi32>
      %select_n3A_604 = arith.select %and3A_600, %sub3A_603, %div3A_576 : vector<16xi1>, vector<16xi32>
      %jit3A_605 = arith.constant 128 : i32
      %eq3A_606 = arith.constant 0 : i32
      %eq3A_607 = arith.cmpi eq, %jit3A_605, %eq3A_606 : i32
      %jit3A_608 = arith.constant 1 : i32
      %select_n3A_609 = arith.select %eq3A_607, %jit3A_608, %jit3A_605 : i32
      %rem3A_610 = vector.broadcast %select_n3A_609 : i32 to vector<16xi32>
      %rem3A_611 = arith.remsi %add3A_573, %rem3A_610 : vector<16xi32>
      %ne3A_612 = arith.constant 0 : i32
      %ne3A_613 = vector.broadcast %ne3A_612 : i32 to vector<16xi32>
      %ne3A_614 = arith.cmpi ne, %rem3A_611, %ne3A_613 : vector<16xi32>
      %lt3A_615 = arith.constant 0 : i32
      %lt3A_616 = vector.broadcast %lt3A_615 : i32 to vector<16xi32>
      %lt3A_617 = arith.cmpi slt, %rem3A_611, %lt3A_616 : vector<16xi32>
      %lt3A_618 = arith.constant 0 : i32
      %lt3A_619 = arith.cmpi slt, %select_n3A_609, %lt3A_618 : i32
      %ne3A_620 = vector.broadcast %lt3A_619 : i1 to vector<16xi1>
      %ne3A_621 = vector.broadcast %ne3A_620 : vector<16xi1> to vector<16xi1>
      %ne3A_622 = arith.xori %lt3A_617, %ne3A_621 : vector<16xi1>
      %and3A_623 = arith.andi %ne3A_622, %ne3A_614 : vector<16xi1>
      %add3A_624 = vector.broadcast %select_n3A_609 : i32 to vector<16xi32>
      %add3A_625 = arith.addi %rem3A_611, %add3A_624 : vector<16xi32>
      %select_n3A_626 = arith.select %and3A_623, %add3A_625, %rem3A_611 : vector<16xi1>, vector<16xi32>
      tpu.vector_store_idx %arg11[%select_n3A_604, %select_n3A_626], %gather3A : memref<12x128xi32, #tpu.memory_space<vmem>>[vector<16xi32>, vector<16xi32>], vector<16xi32>,
      %jit3A_627 = arith.constant 128 : i32
      %div3A_628 = vector.broadcast %jit3A_627 : i32 to vector<16xi32>
      %div3A_629 = arith.divsi %add3A_573, %div3A_628 : vector<16xi32>
      %sign3A_630 = arith.constant 0 : i32
      %sign3A_631 = vector.broadcast %sign3A_630 : i32 to vector<16xi32>
      %sign3A_632 = arith.cmpi sgt, %add3A_573, %sign3A_631 : vector<16xi32>
      %sign3A_633 = arith.extui %sign3A_632 : vector<16xi1> to vector<16xi32>
      %sign3A_634 = arith.constant 0 : i32
      %sign3A_635 = vector.broadcast %sign3A_634 : i32 to vector<16xi32>
      %sign3A_636 = arith.cmpi slt, %add3A_573, %sign3A_635 : vector<16xi32>
      %sign3A_637 = arith.extui %sign3A_636 : vector<16xi1> to vector<16xi32>
      %sign3A_638 = arith.subi %sign3A_633, %sign3A_637 : vector<16xi32>
      %sign3A_639 = arith.constant 0 : i32
      %sign3A_640 = arith.cmpi sgt, %jit3A_627, %sign3A_639 : i32
      %sign3A_641 = arith.extui %sign3A_640 : i1 to i32
      %sign3A_642 = arith.constant 0 : i32
      %sign3A_643 = arith.cmpi slt, %jit3A_627, %sign3A_642 : i32
      %sign3A_644 = arith.extui %sign3A_643 : i1 to i32
      %sign3A_645 = arith.subi %sign3A_641, %sign3A_644 : i32
      %ne3A_646 = vector.broadcast %sign3A_645 : i32 to vector<16xi32>
      %ne3A_647 = arith.cmpi ne, %sign3A_638, %ne3A_646 : vector<16xi32>
      %rem3A_648 = vector.broadcast %jit3A_627 : i32 to vector<16xi32>
      %rem3A_649 = arith.remsi %add3A_573, %rem3A_648 : vector<16xi32>
      %ne3A_650 = arith.constant 0 : i32
      %ne3A_651 = vector.broadcast %ne3A_650 : i32 to vector<16xi32>
      %ne3A_652 = arith.cmpi ne, %rem3A_649, %ne3A_651 : vector<16xi32>
      %and3A_653 = arith.andi %ne3A_647, %ne3A_652 : vector<16xi1>
      %sub3A_654 = arith.constant 1 : i32
      %sub3A_655 = vector.broadcast %sub3A_654 : i32 to vector<16xi32>
      %sub3A_656 = arith.subi %div3A_629, %sub3A_655 : vector<16xi32>
      %select_n3A_657 = arith.select %and3A_653, %sub3A_656, %div3A_629 : vector<16xi1>, vector<16xi32>
      %jit3A_658 = arith.constant 128 : i32
      %eq3A_659 = arith.constant 0 : i32
      %eq3A_660 = arith.cmpi eq, %jit3A_658, %eq3A_659 : i32
      %jit3A_661 = arith.constant 1 : i32
      %select_n3A_662 = arith.select %eq3A_660, %jit3A_661, %jit3A_658 : i32
      %rem3A_663 = vector.broadcast %select_n3A_662 : i32 to vector<16xi32>
      %rem3A_664 = arith.remsi %add3A_573, %rem3A_663 : vector<16xi32>
      %ne3A_665 = arith.constant 0 : i32
      %ne3A_666 = vector.broadcast %ne3A_665 : i32 to vector<16xi32>
      %ne3A_667 = arith.cmpi ne, %rem3A_664, %ne3A_666 : vector<16xi32>
      %lt3A_668 = arith.constant 0 : i32
      %lt3A_669 = vector.broadcast %lt3A_668 : i32 to vector<16xi32>
      %lt3A_670 = arith.cmpi slt, %rem3A_664, %lt3A_669 : vector<16xi32>
      %lt3A_671 = arith.constant 0 : i32
      %lt3A_672 = arith.cmpi slt, %select_n3A_662, %lt3A_671 : i32
      %ne3A_673 = vector.broadcast %lt3A_672 : i1 to vector<16xi1>
      %ne3A_674 = vector.broadcast %ne3A_673 : vector<16xi1> to vector<16xi1>
      %ne3A_675 = arith.xori %lt3A_670, %ne3A_674 : vector<16xi1>
      %and3A_676 = arith.andi %ne3A_675, %ne3A_667 : vector<16xi1>
      %add3A_677 = vector.broadcast %select_n3A_662 : i32 to vector<16xi32>
      %add3A_678 = arith.addi %rem3A_664, %add3A_677 : vector<16xi32>
      %select_n3A_679 = arith.select %and3A_676, %add3A_678, %rem3A_664 : vector<16xi1>, vector<16xi32>
      tpu.vector_store_idx %arg12[%select_n3A_657, %select_n3A_679], %gather3A_239 : memref<12x128xi32, #tpu.memory_space<vmem>>[vector<16xi32>, vector<16xi32>], vector<16xi32>,
      %add3A_680 = arith.constant 64 : i32
      %add3A_681 = arith.addi %while3A_51, %add3A_680 : i32
      %add3A_682 = vector.broadcast %add3A_681 : i32 to vector<16xi32>
      %add3A_683 = arith.addi %add3A_682, %iota3A : vector<16xi32>
      %jit3A_684 = arith.constant 128 : i32
      %div3A_685 = vector.broadcast %jit3A_684 : i32 to vector<16xi32>
      %div3A_686 = arith.divsi %add3A_683, %div3A_685 : vector<16xi32>
      %sign3A_687 = arith.constant 0 : i32
      %sign3A_688 = vector.broadcast %sign3A_687 : i32 to vector<16xi32>
      %sign3A_689 = arith.cmpi sgt, %add3A_683, %sign3A_688 : vector<16xi32>
      %sign3A_690 = arith.extui %sign3A_689 : vector<16xi1> to vector<16xi32>
      %sign3A_691 = arith.constant 0 : i32
      %sign3A_692 = vector.broadcast %sign3A_691 : i32 to vector<16xi32>
      %sign3A_693 = arith.cmpi slt, %add3A_683, %sign3A_692 : vector<16xi32>
      %sign3A_694 = arith.extui %sign3A_693 : vector<16xi1> to vector<16xi32>
      %sign3A_695 = arith.subi %sign3A_690, %sign3A_694 : vector<16xi32>
      %sign3A_696 = arith.constant 0 : i32
      %sign3A_697 = arith.cmpi sgt, %jit3A_684, %sign3A_696 : i32
      %sign3A_698 = arith.extui %sign3A_697 : i1 to i32
      %sign3A_699 = arith.constant 0 : i32
      %sign3A_700 = arith.cmpi slt, %jit3A_684, %sign3A_699 : i32
      %sign3A_701 = arith.extui %sign3A_700 : i1 to i32
      %sign3A_702 = arith.subi %sign3A_698, %sign3A_701 : i32
      %ne3A_703 = vector.broadcast %sign3A_702 : i32 to vector<16xi32>
      %ne3A_704 = arith.cmpi ne, %sign3A_695, %ne3A_703 : vector<16xi32>
      %rem3A_705 = vector.broadcast %jit3A_684 : i32 to vector<16xi32>
      %rem3A_706 = arith.remsi %add3A_683, %rem3A_705 : vector<16xi32>
      %ne3A_707 = arith.constant 0 : i32
      %ne3A_708 = vector.broadcast %ne3A_707 : i32 to vector<16xi32>
      %ne3A_709 = arith.cmpi ne, %rem3A_706, %ne3A_708 : vector<16xi32>
      %and3A_710 = arith.andi %ne3A_704, %ne3A_709 : vector<16xi1>
      %sub3A_711 = arith.constant 1 : i32
      %sub3A_712 = vector.broadcast %sub3A_711 : i32 to vector<16xi32>
      %sub3A_713 = arith.subi %div3A_686, %sub3A_712 : vector<16xi32>
      %select_n3A_714 = arith.select %and3A_710, %sub3A_713, %div3A_686 : vector<16xi1>, vector<16xi32>
      %jit3A_715 = arith.constant 128 : i32
      %eq3A_716 = arith.constant 0 : i32
      %eq3A_717 = arith.cmpi eq, %jit3A_715, %eq3A_716 : i32
      %jit3A_718 = arith.constant 1 : i32
      %select_n3A_719 = arith.select %eq3A_717, %jit3A_718, %jit3A_715 : i32
      %rem3A_720 = vector.broadcast %select_n3A_719 : i32 to vector<16xi32>
      %rem3A_721 = arith.remsi %add3A_683, %rem3A_720 : vector<16xi32>
      %ne3A_722 = arith.constant 0 : i32
      %ne3A_723 = vector.broadcast %ne3A_722 : i32 to vector<16xi32>
      %ne3A_724 = arith.cmpi ne, %rem3A_721, %ne3A_723 : vector<16xi32>
      %lt3A_725 = arith.constant 0 : i32
      %lt3A_726 = vector.broadcast %lt3A_725 : i32 to vector<16xi32>
      %lt3A_727 = arith.cmpi slt, %rem3A_721, %lt3A_726 : vector<16xi32>
      %lt3A_728 = arith.constant 0 : i32
      %lt3A_729 = arith.cmpi slt, %select_n3A_719, %lt3A_728 : i32
      %ne3A_730 = vector.broadcast %lt3A_729 : i1 to vector<16xi1>
      %ne3A_731 = vector.broadcast %ne3A_730 : vector<16xi1> to vector<16xi1>
      %ne3A_732 = arith.xori %lt3A_727, %ne3A_731 : vector<16xi1>
      %and3A_733 = arith.andi %ne3A_732, %ne3A_724 : vector<16xi1>
      %add3A_734 = vector.broadcast %select_n3A_719 : i32 to vector<16xi32>
      %add3A_735 = arith.addi %rem3A_721, %add3A_734 : vector<16xi32>
      %select_n3A_736 = arith.select %and3A_733, %add3A_735, %rem3A_721 : vector<16xi1>, vector<16xi32>
      tpu.vector_store_idx %arg11[%select_n3A_714, %select_n3A_736], %gather3A : memref<12x128xi32, #tpu.memory_space<vmem>>[vector<16xi32>, vector<16xi32>], vector<16xi32>,
      %jit3A_737 = arith.constant 128 : i32
      %div3A_738 = vector.broadcast %jit3A_737 : i32 to vector<16xi32>
      %div3A_739 = arith.divsi %add3A_683, %div3A_738 : vector<16xi32>
      %sign3A_740 = arith.constant 0 : i32
      %sign3A_741 = vector.broadcast %sign3A_740 : i32 to vector<16xi32>
      %sign3A_742 = arith.cmpi sgt, %add3A_683, %sign3A_741 : vector<16xi32>
      %sign3A_743 = arith.extui %sign3A_742 : vector<16xi1> to vector<16xi32>
      %sign3A_744 = arith.constant 0 : i32
      %sign3A_745 = vector.broadcast %sign3A_744 : i32 to vector<16xi32>
      %sign3A_746 = arith.cmpi slt, %add3A_683, %sign3A_745 : vector<16xi32>
      %sign3A_747 = arith.extui %sign3A_746 : vector<16xi1> to vector<16xi32>
      %sign3A_748 = arith.subi %sign3A_743, %sign3A_747 : vector<16xi32>
      %sign3A_749 = arith.constant 0 : i32
      %sign3A_750 = arith.cmpi sgt, %jit3A_737, %sign3A_749 : i32
      %sign3A_751 = arith.extui %sign3A_750 : i1 to i32
      %sign3A_752 = arith.constant 0 : i32
      %sign3A_753 = arith.cmpi slt, %jit3A_737, %sign3A_752 : i32
      %sign3A_754 = arith.extui %sign3A_753 : i1 to i32
      %sign3A_755 = arith.subi %sign3A_751, %sign3A_754 : i32
      %ne3A_756 = vector.broadcast %sign3A_755 : i32 to vector<16xi32>
      %ne3A_757 = arith.cmpi ne, %sign3A_748, %ne3A_756 : vector<16xi32>
      %rem3A_758 = vector.broadcast %jit3A_737 : i32 to vector<16xi32>
      %rem3A_759 = arith.remsi %add3A_683, %rem3A_758 : vector<16xi32>
      %ne3A_760 = arith.constant 0 : i32
      %ne3A_761 = vector.broadcast %ne3A_760 : i32 to vector<16xi32>
      %ne3A_762 = arith.cmpi ne, %rem3A_759, %ne3A_761 : vector<16xi32>
      %and3A_763 = arith.andi %ne3A_757, %ne3A_762 : vector<16xi1>
      %sub3A_764 = arith.constant 1 : i32
      %sub3A_765 = vector.broadcast %sub3A_764 : i32 to vector<16xi32>
      %sub3A_766 = arith.subi %div3A_739, %sub3A_765 : vector<16xi32>
      %select_n3A_767 = arith.select %and3A_763, %sub3A_766, %div3A_739 : vector<16xi1>, vector<16xi32>
      %jit3A_768 = arith.constant 128 : i32
      %eq3A_769 = arith.constant 0 : i32
      %eq3A_770 = arith.cmpi eq, %jit3A_768, %eq3A_769 : i32
      %jit3A_771 = arith.constant 1 : i32
      %select_n3A_772 = arith.select %eq3A_770, %jit3A_771, %jit3A_768 : i32
      %rem3A_773 = vector.broadcast %select_n3A_772 : i32 to vector<16xi32>
      %rem3A_774 = arith.remsi %add3A_683, %rem3A_773 : vector<16xi32>
      %ne3A_775 = arith.constant 0 : i32
      %ne3A_776 = vector.broadcast %ne3A_775 : i32 to vector<16xi32>
      %ne3A_777 = arith.cmpi ne, %rem3A_774, %ne3A_776 : vector<16xi32>
      %lt3A_778 = arith.constant 0 : i32
      %lt3A_779 = vector.broadcast %lt3A_778 : i32 to vector<16xi32>
      %lt3A_780 = arith.cmpi slt, %rem3A_774, %lt3A_779 : vector<16xi32>
      %lt3A_781 = arith.constant 0 : i32
      %lt3A_782 = arith.cmpi slt, %select_n3A_772, %lt3A_781 : i32
      %ne3A_783 = vector.broadcast %lt3A_782 : i1 to vector<16xi1>
      %ne3A_784 = vector.broadcast %ne3A_783 : vector<16xi1> to vector<16xi1>
      %ne3A_785 = arith.xori %lt3A_780, %ne3A_784 : vector<16xi1>
      %and3A_786 = arith.andi %ne3A_785, %ne3A_777 : vector<16xi1>
      %add3A_787 = vector.broadcast %select_n3A_772 : i32 to vector<16xi32>
      %add3A_788 = arith.addi %rem3A_774, %add3A_787 : vector<16xi32>
      %select_n3A_789 = arith.select %and3A_786, %add3A_788, %rem3A_774 : vector<16xi1>, vector<16xi32>
      tpu.vector_store_idx %arg12[%select_n3A_767, %select_n3A_789], %gather3A_239 : memref<12x128xi32, #tpu.memory_space<vmem>>[vector<16xi32>, vector<16xi32>], vector<16xi32>,
      %add3A_790 = arith.constant 80 : i32
      %add3A_791 = arith.addi %while3A_51, %add3A_790 : i32
      %add3A_792 = vector.broadcast %add3A_791 : i32 to vector<16xi32>
      %add3A_793 = arith.addi %add3A_792, %iota3A : vector<16xi32>
      %jit3A_794 = arith.constant 128 : i32
      %div3A_795 = vector.broadcast %jit3A_794 : i32 to vector<16xi32>
      %div3A_796 = arith.divsi %add3A_793, %div3A_795 : vector<16xi32>
      %sign3A_797 = arith.constant 0 : i32
      %sign3A_798 = vector.broadcast %sign3A_797 : i32 to vector<16xi32>
      %sign3A_799 = arith.cmpi sgt, %add3A_793, %sign3A_798 : vector<16xi32>
      %sign3A_800 = arith.extui %sign3A_799 : vector<16xi1> to vector<16xi32>
      %sign3A_801 = arith.constant 0 : i32
      %sign3A_802 = vector.broadcast %sign3A_801 : i32 to vector<16xi32>
      %sign3A_803 = arith.cmpi slt, %add3A_793, %sign3A_802 : vector<16xi32>
      %sign3A_804 = arith.extui %sign3A_803 : vector<16xi1> to vector<16xi32>
      %sign3A_805 = arith.subi %sign3A_800, %sign3A_804 : vector<16xi32>
      %sign3A_806 = arith.constant 0 : i32
      %sign3A_807 = arith.cmpi sgt, %jit3A_794, %sign3A_806 : i32
      %sign3A_808 = arith.extui %sign3A_807 : i1 to i32
      %sign3A_809 = arith.constant 0 : i32
      %sign3A_810 = arith.cmpi slt, %jit3A_794, %sign3A_809 : i32
      %sign3A_811 = arith.extui %sign3A_810 : i1 to i32
      %sign3A_812 = arith.subi %sign3A_808, %sign3A_811 : i32
      %ne3A_813 = vector.broadcast %sign3A_812 : i32 to vector<16xi32>
      %ne3A_814 = arith.cmpi ne, %sign3A_805, %ne3A_813 : vector<16xi32>
      %rem3A_815 = vector.broadcast %jit3A_794 : i32 to vector<16xi32>
      %rem3A_816 = arith.remsi %add3A_793, %rem3A_815 : vector<16xi32>
      %ne3A_817 = arith.constant 0 : i32
      %ne3A_818 = vector.broadcast %ne3A_817 : i32 to vector<16xi32>
      %ne3A_819 = arith.cmpi ne, %rem3A_816, %ne3A_818 : vector<16xi32>
      %and3A_820 = arith.andi %ne3A_814, %ne3A_819 : vector<16xi1>
      %sub3A_821 = arith.constant 1 : i32
      %sub3A_822 = vector.broadcast %sub3A_821 : i32 to vector<16xi32>
      %sub3A_823 = arith.subi %div3A_796, %sub3A_822 : vector<16xi32>
      %select_n3A_824 = arith.select %and3A_820, %sub3A_823, %div3A_796 : vector<16xi1>, vector<16xi32>
      %jit3A_825 = arith.constant 128 : i32
      %eq3A_826 = arith.constant 0 : i32
      %eq3A_827 = arith.cmpi eq, %jit3A_825, %eq3A_826 : i32
      %jit3A_828 = arith.constant 1 : i32
      %select_n3A_829 = arith.select %eq3A_827, %jit3A_828, %jit3A_825 : i32
      %rem3A_830 = vector.broadcast %select_n3A_829 : i32 to vector<16xi32>
      %rem3A_831 = arith.remsi %add3A_793, %rem3A_830 : vector<16xi32>
      %ne3A_832 = arith.constant 0 : i32
      %ne3A_833 = vector.broadcast %ne3A_832 : i32 to vector<16xi32>
      %ne3A_834 = arith.cmpi ne, %rem3A_831, %ne3A_833 : vector<16xi32>
      %lt3A_835 = arith.constant 0 : i32
      %lt3A_836 = vector.broadcast %lt3A_835 : i32 to vector<16xi32>
      %lt3A_837 = arith.cmpi slt, %rem3A_831, %lt3A_836 : vector<16xi32>
      %lt3A_838 = arith.constant 0 : i32
      %lt3A_839 = arith.cmpi slt, %select_n3A_829, %lt3A_838 : i32
      %ne3A_840 = vector.broadcast %lt3A_839 : i1 to vector<16xi1>
      %ne3A_841 = vector.broadcast %ne3A_840 : vector<16xi1> to vector<16xi1>
      %ne3A_842 = arith.xori %lt3A_837, %ne3A_841 : vector<16xi1>
      %and3A_843 = arith.andi %ne3A_842, %ne3A_834 : vector<16xi1>
      %add3A_844 = vector.broadcast %select_n3A_829 : i32 to vector<16xi32>
      %add3A_845 = arith.addi %rem3A_831, %add3A_844 : vector<16xi32>
      %select_n3A_846 = arith.select %and3A_843, %add3A_845, %rem3A_831 : vector<16xi1>, vector<16xi32>
      tpu.vector_store_idx %arg11[%select_n3A_824, %select_n3A_846], %gather3A : memref<12x128xi32, #tpu.memory_space<vmem>>[vector<16xi32>, vector<16xi32>], vector<16xi32>,
      %jit3A_847 = arith.constant 128 : i32
      %div3A_848 = vector.broadcast %jit3A_847 : i32 to vector<16xi32>
      %div3A_849 = arith.divsi %add3A_793, %div3A_848 : vector<16xi32>
      %sign3A_850 = arith.constant 0 : i32
      %sign3A_851 = vector.broadcast %sign3A_850 : i32 to vector<16xi32>
      %sign3A_852 = arith.cmpi sgt, %add3A_793, %sign3A_851 : vector<16xi32>
      %sign3A_853 = arith.extui %sign3A_852 : vector<16xi1> to vector<16xi32>
      %sign3A_854 = arith.constant 0 : i32
      %sign3A_855 = vector.broadcast %sign3A_854 : i32 to vector<16xi32>
      %sign3A_856 = arith.cmpi slt, %add3A_793, %sign3A_855 : vector<16xi32>
      %sign3A_857 = arith.extui %sign3A_856 : vector<16xi1> to vector<16xi32>
      %sign3A_858 = arith.subi %sign3A_853, %sign3A_857 : vector<16xi32>
      %sign3A_859 = arith.constant 0 : i32
      %sign3A_860 = arith.cmpi sgt, %jit3A_847, %sign3A_859 : i32
      %sign3A_861 = arith.extui %sign3A_860 : i1 to i32
      %sign3A_862 = arith.constant 0 : i32
      %sign3A_863 = arith.cmpi slt, %jit3A_847, %sign3A_862 : i32
      %sign3A_864 = arith.extui %sign3A_863 : i1 to i32
      %sign3A_865 = arith.subi %sign3A_861, %sign3A_864 : i32
      %ne3A_866 = vector.broadcast %sign3A_865 : i32 to vector<16xi32>
      %ne3A_867 = arith.cmpi ne, %sign3A_858, %ne3A_866 : vector<16xi32>
      %rem3A_868 = vector.broadcast %jit3A_847 : i32 to vector<16xi32>
      %rem3A_869 = arith.remsi %add3A_793, %rem3A_868 : vector<16xi32>
      %ne3A_870 = arith.constant 0 : i32
      %ne3A_871 = vector.broadcast %ne3A_870 : i32 to vector<16xi32>
      %ne3A_872 = arith.cmpi ne, %rem3A_869, %ne3A_871 : vector<16xi32>
      %and3A_873 = arith.andi %ne3A_867, %ne3A_872 : vector<16xi1>
      %sub3A_874 = arith.constant 1 : i32
      %sub3A_875 = vector.broadcast %sub3A_874 : i32 to vector<16xi32>
      %sub3A_876 = arith.subi %div3A_849, %sub3A_875 : vector<16xi32>
      %select_n3A_877 = arith.select %and3A_873, %sub3A_876, %div3A_849 : vector<16xi1>, vector<16xi32>
      %jit3A_878 = arith.constant 128 : i32
      %eq3A_879 = arith.constant 0 : i32
      %eq3A_880 = arith.cmpi eq, %jit3A_878, %eq3A_879 : i32
      %jit3A_881 = arith.constant 1 : i32
      %select_n3A_882 = arith.select %eq3A_880, %jit3A_881, %jit3A_878 : i32
      %rem3A_883 = vector.broadcast %select_n3A_882 : i32 to vector<16xi32>
      %rem3A_884 = arith.remsi %add3A_793, %rem3A_883 : vector<16xi32>
      %ne3A_885 = arith.constant 0 : i32
      %ne3A_886 = vector.broadcast %ne3A_885 : i32 to vector<16xi32>
      %ne3A_887 = arith.cmpi ne, %rem3A_884, %ne3A_886 : vector<16xi32>
      %lt3A_888 = arith.constant 0 : i32
      %lt3A_889 = vector.broadcast %lt3A_888 : i32 to vector<16xi32>
      %lt3A_890 = arith.cmpi slt, %rem3A_884, %lt3A_889 : vector<16xi32>
      %lt3A_891 = arith.constant 0 : i32
      %lt3A_892 = arith.cmpi slt, %select_n3A_882, %lt3A_891 : i32
      %ne3A_893 = vector.broadcast %lt3A_892 : i1 to vector<16xi1>
      %ne3A_894 = vector.broadcast %ne3A_893 : vector<16xi1> to vector<16xi1>
      %ne3A_895 = arith.xori %lt3A_890, %ne3A_894 : vector<16xi1>
      %and3A_896 = arith.andi %ne3A_895, %ne3A_887 : vector<16xi1>
      %add3A_897 = vector.broadcast %select_n3A_882 : i32 to vector<16xi32>
      %add3A_898 = arith.addi %rem3A_884, %add3A_897 : vector<16xi32>
      %select_n3A_899 = arith.select %and3A_896, %add3A_898, %rem3A_884 : vector<16xi1>, vector<16xi32>
      tpu.vector_store_idx %arg12[%select_n3A_877, %select_n3A_899], %gather3A_239 : memref<12x128xi32, #tpu.memory_space<vmem>>[vector<16xi32>, vector<16xi32>], vector<16xi32>,
      %add3A_900 = arith.constant 96 : i32
      %add3A_901 = arith.addi %while3A_51, %add3A_900 : i32
      %add3A_902 = vector.broadcast %add3A_901 : i32 to vector<16xi32>
      %add3A_903 = arith.addi %add3A_902, %iota3A : vector<16xi32>
      %jit3A_904 = arith.constant 128 : i32
      %div3A_905 = vector.broadcast %jit3A_904 : i32 to vector<16xi32>
      %div3A_906 = arith.divsi %add3A_903, %div3A_905 : vector<16xi32>
      %sign3A_907 = arith.constant 0 : i32
      %sign3A_908 = vector.broadcast %sign3A_907 : i32 to vector<16xi32>
      %sign3A_909 = arith.cmpi sgt, %add3A_903, %sign3A_908 : vector<16xi32>
      %sign3A_910 = arith.extui %sign3A_909 : vector<16xi1> to vector<16xi32>
      %sign3A_911 = arith.constant 0 : i32
      %sign3A_912 = vector.broadcast %sign3A_911 : i32 to vector<16xi32>
      %sign3A_913 = arith.cmpi slt, %add3A_903, %sign3A_912 : vector<16xi32>
      %sign3A_914 = arith.extui %sign3A_913 : vector<16xi1> to vector<16xi32>
      %sign3A_915 = arith.subi %sign3A_910, %sign3A_914 : vector<16xi32>
      %sign3A_916 = arith.constant 0 : i32
      %sign3A_917 = arith.cmpi sgt, %jit3A_904, %sign3A_916 : i32
      %sign3A_918 = arith.extui %sign3A_917 : i1 to i32
      %sign3A_919 = arith.constant 0 : i32
      %sign3A_920 = arith.cmpi slt, %jit3A_904, %sign3A_919 : i32
      %sign3A_921 = arith.extui %sign3A_920 : i1 to i32
      %sign3A_922 = arith.subi %sign3A_918, %sign3A_921 : i32
      %ne3A_923 = vector.broadcast %sign3A_922 : i32 to vector<16xi32>
      %ne3A_924 = arith.cmpi ne, %sign3A_915, %ne3A_923 : vector<16xi32>
      %rem3A_925 = vector.broadcast %jit3A_904 : i32 to vector<16xi32>
      %rem3A_926 = arith.remsi %add3A_903, %rem3A_925 : vector<16xi32>
      %ne3A_927 = arith.constant 0 : i32
      %ne3A_928 = vector.broadcast %ne3A_927 : i32 to vector<16xi32>
      %ne3A_929 = arith.cmpi ne, %rem3A_926, %ne3A_928 : vector<16xi32>
      %and3A_930 = arith.andi %ne3A_924, %ne3A_929 : vector<16xi1>
      %sub3A_931 = arith.constant 1 : i32
      %sub3A_932 = vector.broadcast %sub3A_931 : i32 to vector<16xi32>
      %sub3A_933 = arith.subi %div3A_906, %sub3A_932 : vector<16xi32>
      %select_n3A_934 = arith.select %and3A_930, %sub3A_933, %div3A_906 : vector<16xi1>, vector<16xi32>
      %jit3A_935 = arith.constant 128 : i32
      %eq3A_936 = arith.constant 0 : i32
      %eq3A_937 = arith.cmpi eq, %jit3A_935, %eq3A_936 : i32
      %jit3A_938 = arith.constant 1 : i32
      %select_n3A_939 = arith.select %eq3A_937, %jit3A_938, %jit3A_935 : i32
      %rem3A_940 = vector.broadcast %select_n3A_939 : i32 to vector<16xi32>
      %rem3A_941 = arith.remsi %add3A_903, %rem3A_940 : vector<16xi32>
      %ne3A_942 = arith.constant 0 : i32
      %ne3A_943 = vector.broadcast %ne3A_942 : i32 to vector<16xi32>
      %ne3A_944 = arith.cmpi ne, %rem3A_941, %ne3A_943 : vector<16xi32>
      %lt3A_945 = arith.constant 0 : i32
      %lt3A_946 = vector.broadcast %lt3A_945 : i32 to vector<16xi32>
      %lt3A_947 = arith.cmpi slt, %rem3A_941, %lt3A_946 : vector<16xi32>
      %lt3A_948 = arith.constant 0 : i32
      %lt3A_949 = arith.cmpi slt, %select_n3A_939, %lt3A_948 : i32
      %ne3A_950 = vector.broadcast %lt3A_949 : i1 to vector<16xi1>
      %ne3A_951 = vector.broadcast %ne3A_950 : vector<16xi1> to vector<16xi1>
      %ne3A_952 = arith.xori %lt3A_947, %ne3A_951 : vector<16xi1>
      %and3A_953 = arith.andi %ne3A_952, %ne3A_944 : vector<16xi1>
      %add3A_954 = vector.broadcast %select_n3A_939 : i32 to vector<16xi32>
      %add3A_955 = arith.addi %rem3A_941, %add3A_954 : vector<16xi32>
      %select_n3A_956 = arith.select %and3A_953, %add3A_955, %rem3A_941 : vector<16xi1>, vector<16xi32>
      tpu.vector_store_idx %arg11[%select_n3A_934, %select_n3A_956], %gather3A : memref<12x128xi32, #tpu.memory_space<vmem>>[vector<16xi32>, vector<16xi32>], vector<16xi32>,
      %jit3A_957 = arith.constant 128 : i32
      %div3A_958 = vector.broadcast %jit3A_957 : i32 to vector<16xi32>
      %div3A_959 = arith.divsi %add3A_903, %div3A_958 : vector<16xi32>
      %sign3A_960 = arith.constant 0 : i32
      %sign3A_961 = vector.broadcast %sign3A_960 : i32 to vector<16xi32>
      %sign3A_962 = arith.cmpi sgt, %add3A_903, %sign3A_961 : vector<16xi32>
      %sign3A_963 = arith.extui %sign3A_962 : vector<16xi1> to vector<16xi32>
      %sign3A_964 = arith.constant 0 : i32
      %sign3A_965 = vector.broadcast %sign3A_964 : i32 to vector<16xi32>
      %sign3A_966 = arith.cmpi slt, %add3A_903, %sign3A_965 : vector<16xi32>
      %sign3A_967 = arith.extui %sign3A_966 : vector<16xi1> to vector<16xi32>
      %sign3A_968 = arith.subi %sign3A_963, %sign3A_967 : vector<16xi32>
      %sign3A_969 = arith.constant 0 : i32
      %sign3A_970 = arith.cmpi sgt, %jit3A_957, %sign3A_969 : i32
      %sign3A_971 = arith.extui %sign3A_970 : i1 to i32
      %sign3A_972 = arith.constant 0 : i32
      %sign3A_973 = arith.cmpi slt, %jit3A_957, %sign3A_972 : i32
      %sign3A_974 = arith.extui %sign3A_973 : i1 to i32
      %sign3A_975 = arith.subi %sign3A_971, %sign3A_974 : i32
      %ne3A_976 = vector.broadcast %sign3A_975 : i32 to vector<16xi32>
      %ne3A_977 = arith.cmpi ne, %sign3A_968, %ne3A_976 : vector<16xi32>
      %rem3A_978 = vector.broadcast %jit3A_957 : i32 to vector<16xi32>
      %rem3A_979 = arith.remsi %add3A_903, %rem3A_978 : vector<16xi32>
      %ne3A_980 = arith.constant 0 : i32
      %ne3A_981 = vector.broadcast %ne3A_980 : i32 to vector<16xi32>
      %ne3A_982 = arith.cmpi ne, %rem3A_979, %ne3A_981 : vector<16xi32>
      %and3A_983 = arith.andi %ne3A_977, %ne3A_982 : vector<16xi1>
      %sub3A_984 = arith.constant 1 : i32
      %sub3A_985 = vector.broadcast %sub3A_984 : i32 to vector<16xi32>
      %sub3A_986 = arith.subi %div3A_959, %sub3A_985 : vector<16xi32>
      %select_n3A_987 = arith.select %and3A_983, %sub3A_986, %div3A_959 : vector<16xi1>, vector<16xi32>
      %jit3A_988 = arith.constant 128 : i32
      %eq3A_989 = arith.constant 0 : i32
      %eq3A_990 = arith.cmpi eq, %jit3A_988, %eq3A_989 : i32
      %jit3A_991 = arith.constant 1 : i32
      %select_n3A_992 = arith.select %eq3A_990, %jit3A_991, %jit3A_988 : i32
      %rem3A_993 = vector.broadcast %select_n3A_992 : i32 to vector<16xi32>
      %rem3A_994 = arith.remsi %add3A_903, %rem3A_993 : vector<16xi32>
      %ne3A_995 = arith.constant 0 : i32
      %ne3A_996 = vector.broadcast %ne3A_995 : i32 to vector<16xi32>
      %ne3A_997 = arith.cmpi ne, %rem3A_994, %ne3A_996 : vector<16xi32>
      %lt3A_998 = arith.constant 0 : i32
      %lt3A_999 = vector.broadcast %lt3A_998 : i32 to vector<16xi32>
      %lt3A_1000 = arith.cmpi slt, %rem3A_994, %lt3A_999 : vector<16xi32>
      %lt3A_1001 = arith.constant 0 : i32
      %lt3A_1002 = arith.cmpi slt, %select_n3A_992, %lt3A_1001 : i32
      %ne3A_1003 = vector.broadcast %lt3A_1002 : i1 to vector<16xi1>
      %ne3A_1004 = vector.broadcast %ne3A_1003 : vector<16xi1> to vector<16xi1>
      %ne3A_1005 = arith.xori %lt3A_1000, %ne3A_1004 : vector<16xi1>
      %and3A_1006 = arith.andi %ne3A_1005, %ne3A_997 : vector<16xi1>
      %add3A_1007 = vector.broadcast %select_n3A_992 : i32 to vector<16xi32>
      %add3A_1008 = arith.addi %rem3A_994, %add3A_1007 : vector<16xi32>
      %select_n3A_1009 = arith.select %and3A_1006, %add3A_1008, %rem3A_994 : vector<16xi1>, vector<16xi32>
      tpu.vector_store_idx %arg12[%select_n3A_987, %select_n3A_1009], %gather3A_239 : memref<12x128xi32, #tpu.memory_space<vmem>>[vector<16xi32>, vector<16xi32>], vector<16xi32>,
      %add3A_1010 = arith.constant 112 : i32
      %add3A_1011 = arith.addi %while3A_51, %add3A_1010 : i32
      %add3A_1012 = vector.broadcast %add3A_1011 : i32 to vector<16xi32>
      %add3A_1013 = arith.addi %add3A_1012, %iota3A : vector<16xi32>
      %jit3A_1014 = arith.constant 128 : i32
      %div3A_1015 = vector.broadcast %jit3A_1014 : i32 to vector<16xi32>
      %div3A_1016 = arith.divsi %add3A_1013, %div3A_1015 : vector<16xi32>
      %sign3A_1017 = arith.constant 0 : i32
      %sign3A_1018 = vector.broadcast %sign3A_1017 : i32 to vector<16xi32>
      %sign3A_1019 = arith.cmpi sgt, %add3A_1013, %sign3A_1018 : vector<16xi32>
      %sign3A_1020 = arith.extui %sign3A_1019 : vector<16xi1> to vector<16xi32>
      %sign3A_1021 = arith.constant 0 : i32
      %sign3A_1022 = vector.broadcast %sign3A_1021 : i32 to vector<16xi32>
      %sign3A_1023 = arith.cmpi slt, %add3A_1013, %sign3A_1022 : vector<16xi32>
      %sign3A_1024 = arith.extui %sign3A_1023 : vector<16xi1> to vector<16xi32>
      %sign3A_1025 = arith.subi %sign3A_1020, %sign3A_1024 : vector<16xi32>
      %sign3A_1026 = arith.constant 0 : i32
      %sign3A_1027 = arith.cmpi sgt, %jit3A_1014, %sign3A_1026 : i32
      %sign3A_1028 = arith.extui %sign3A_1027 : i1 to i32
      %sign3A_1029 = arith.constant 0 : i32
      %sign3A_1030 = arith.cmpi slt, %jit3A_1014, %sign3A_1029 : i32
      %sign3A_1031 = arith.extui %sign3A_1030 : i1 to i32
      %sign3A_1032 = arith.subi %sign3A_1028, %sign3A_1031 : i32
      %ne3A_1033 = vector.broadcast %sign3A_1032 : i32 to vector<16xi32>
      %ne3A_1034 = arith.cmpi ne, %sign3A_1025, %ne3A_1033 : vector<16xi32>
      %rem3A_1035 = vector.broadcast %jit3A_1014 : i32 to vector<16xi32>
      %rem3A_1036 = arith.remsi %add3A_1013, %rem3A_1035 : vector<16xi32>
      %ne3A_1037 = arith.constant 0 : i32
      %ne3A_1038 = vector.broadcast %ne3A_1037 : i32 to vector<16xi32>
      %ne3A_1039 = arith.cmpi ne, %rem3A_1036, %ne3A_1038 : vector<16xi32>
      %and3A_1040 = arith.andi %ne3A_1034, %ne3A_1039 : vector<16xi1>
      %sub3A_1041 = arith.constant 1 : i32
      %sub3A_1042 = vector.broadcast %sub3A_1041 : i32 to vector<16xi32>
      %sub3A_1043 = arith.subi %div3A_1016, %sub3A_1042 : vector<16xi32>
      %select_n3A_1044 = arith.select %and3A_1040, %sub3A_1043, %div3A_1016 : vector<16xi1>, vector<16xi32>
      %jit3A_1045 = arith.constant 128 : i32
      %eq3A_1046 = arith.constant 0 : i32
      %eq3A_1047 = arith.cmpi eq, %jit3A_1045, %eq3A_1046 : i32
      %jit3A_1048 = arith.constant 1 : i32
      %select_n3A_1049 = arith.select %eq3A_1047, %jit3A_1048, %jit3A_1045 : i32
      %rem3A_1050 = vector.broadcast %select_n3A_1049 : i32 to vector<16xi32>
      %rem3A_1051 = arith.remsi %add3A_1013, %rem3A_1050 : vector<16xi32>
      %ne3A_1052 = arith.constant 0 : i32
      %ne3A_1053 = vector.broadcast %ne3A_1052 : i32 to vector<16xi32>
      %ne3A_1054 = arith.cmpi ne, %rem3A_1051, %ne3A_1053 : vector<16xi32>
      %lt3A_1055 = arith.constant 0 : i32
      %lt3A_1056 = vector.broadcast %lt3A_1055 : i32 to vector<16xi32>
      %lt3A_1057 = arith.cmpi slt, %rem3A_1051, %lt3A_1056 : vector<16xi32>
      %lt3A_1058 = arith.constant 0 : i32
      %lt3A_1059 = arith.cmpi slt, %select_n3A_1049, %lt3A_1058 : i32
      %ne3A_1060 = vector.broadcast %lt3A_1059 : i1 to vector<16xi1>
      %ne3A_1061 = vector.broadcast %ne3A_1060 : vector<16xi1> to vector<16xi1>
      %ne3A_1062 = arith.xori %lt3A_1057, %ne3A_1061 : vector<16xi1>
      %and3A_1063 = arith.andi %ne3A_1062, %ne3A_1054 : vector<16xi1>
      %add3A_1064 = vector.broadcast %select_n3A_1049 : i32 to vector<16xi32>
      %add3A_1065 = arith.addi %rem3A_1051, %add3A_1064 : vector<16xi32>
      %select_n3A_1066 = arith.select %and3A_1063, %add3A_1065, %rem3A_1051 : vector<16xi1>, vector<16xi32>
      tpu.vector_store_idx %arg11[%select_n3A_1044, %select_n3A_1066], %gather3A : memref<12x128xi32, #tpu.memory_space<vmem>>[vector<16xi32>, vector<16xi32>], vector<16xi32>,
      %jit3A_1067 = arith.constant 128 : i32
      %div3A_1068 = vector.broadcast %jit3A_1067 : i32 to vector<16xi32>
      %div3A_1069 = arith.divsi %add3A_1013, %div3A_1068 : vector<16xi32>
      %sign3A_1070 = arith.constant 0 : i32
      %sign3A_1071 = vector.broadcast %sign3A_1070 : i32 to vector<16xi32>
      %sign3A_1072 = arith.cmpi sgt, %add3A_1013, %sign3A_1071 : vector<16xi32>
      %sign3A_1073 = arith.extui %sign3A_1072 : vector<16xi1> to vector<16xi32>
      %sign3A_1074 = arith.constant 0 : i32
      %sign3A_1075 = vector.broadcast %sign3A_1074 : i32 to vector<16xi32>
      %sign3A_1076 = arith.cmpi slt, %add3A_1013, %sign3A_1075 : vector<16xi32>
      %sign3A_1077 = arith.extui %sign3A_1076 : vector<16xi1> to vector<16xi32>
      %sign3A_1078 = arith.subi %sign3A_1073, %sign3A_1077 : vector<16xi32>
      %sign3A_1079 = arith.constant 0 : i32
      %sign3A_1080 = arith.cmpi sgt, %jit3A_1067, %sign3A_1079 : i32
      %sign3A_1081 = arith.extui %sign3A_1080 : i1 to i32
      %sign3A_1082 = arith.constant 0 : i32
      %sign3A_1083 = arith.cmpi slt, %jit3A_1067, %sign3A_1082 : i32
      %sign3A_1084 = arith.extui %sign3A_1083 : i1 to i32
      %sign3A_1085 = arith.subi %sign3A_1081, %sign3A_1084 : i32
      %ne3A_1086 = vector.broadcast %sign3A_1085 : i32 to vector<16xi32>
      %ne3A_1087 = arith.cmpi ne, %sign3A_1078, %ne3A_1086 : vector<16xi32>
      %rem3A_1088 = vector.broadcast %jit3A_1067 : i32 to vector<16xi32>
      %rem3A_1089 = arith.remsi %add3A_1013, %rem3A_1088 : vector<16xi32>
      %ne3A_1090 = arith.constant 0 : i32
      %ne3A_1091 = vector.broadcast %ne3A_1090 : i32 to vector<16xi32>
      %ne3A_1092 = arith.cmpi ne, %rem3A_1089, %ne3A_1091 : vector<16xi32>
      %and3A_1093 = arith.andi %ne3A_1087, %ne3A_1092 : vector<16xi1>
      %sub3A_1094 = arith.constant 1 : i32
      %sub3A_1095 = vector.broadcast %sub3A_1094 : i32 to vector<16xi32>
      %sub3A_1096 = arith.subi %div3A_1069, %sub3A_1095 : vector<16xi32>
      %select_n3A_1097 = arith.select %and3A_1093, %sub3A_1096, %div3A_1069 : vector<16xi1>, vector<16xi32>
      %jit3A_1098 = arith.constant 128 : i32
      %eq3A_1099 = arith.constant 0 : i32
      %eq3A_1100 = arith.cmpi eq, %jit3A_1098, %eq3A_1099 : i32
      %jit3A_1101 = arith.constant 1 : i32
      %select_n3A_1102 = arith.select %eq3A_1100, %jit3A_1101, %jit3A_1098 : i32
      %rem3A_1103 = vector.broadcast %select_n3A_1102 : i32 to vector<16xi32>
      %rem3A_1104 = arith.remsi %add3A_1013, %rem3A_1103 : vector<16xi32>
      %ne3A_1105 = arith.constant 0 : i32
      %ne3A_1106 = vector.broadcast %ne3A_1105 : i32 to vector<16xi32>
      %ne3A_1107 = arith.cmpi ne, %rem3A_1104, %ne3A_1106 : vector<16xi32>
      %lt3A_1108 = arith.constant 0 : i32
      %lt3A_1109 = vector.broadcast %lt3A_1108 : i32 to vector<16xi32>
      %lt3A_1110 = arith.cmpi slt, %rem3A_1104, %lt3A_1109 : vector<16xi32>
      %lt3A_1111 = arith.constant 0 : i32
      %lt3A_1112 = arith.cmpi slt, %select_n3A_1102, %lt3A_1111 : i32
      %ne3A_1113 = vector.broadcast %lt3A_1112 : i1 to vector<16xi1>
      %ne3A_1114 = vector.broadcast %ne3A_1113 : vector<16xi1> to vector<16xi1>
      %ne3A_1115 = arith.xori %lt3A_1110, %ne3A_1114 : vector<16xi1>
      %and3A_1116 = arith.andi %ne3A_1115, %ne3A_1107 : vector<16xi1>
      %add3A_1117 = vector.broadcast %select_n3A_1102 : i32 to vector<16xi32>
      %add3A_1118 = arith.addi %rem3A_1104, %add3A_1117 : vector<16xi32>
      %select_n3A_1119 = arith.select %and3A_1116, %add3A_1118, %rem3A_1104 : vector<16xi1>, vector<16xi32>
      tpu.vector_store_idx %arg12[%select_n3A_1097, %select_n3A_1119], %gather3A_239 : memref<12x128xi32, #tpu.memory_space<vmem>>[vector<16xi32>, vector<16xi32>], vector<16xi32>,
      %add3A_1120 = arith.constant 128 : i32
      %add3A_1121 = arith.addi %while3A_51, %add3A_1120 : i32
      %add3A_1122 = vector.broadcast %add3A_1121 : i32 to vector<16xi32>
      %add3A_1123 = arith.addi %add3A_1122, %iota3A : vector<16xi32>
      %jit3A_1124 = arith.constant 128 : i32
      %div3A_1125 = vector.broadcast %jit3A_1124 : i32 to vector<16xi32>
      %div3A_1126 = arith.divsi %add3A_1123, %div3A_1125 : vector<16xi32>
      %sign3A_1127 = arith.constant 0 : i32
      %sign3A_1128 = vector.broadcast %sign3A_1127 : i32 to vector<16xi32>
      %sign3A_1129 = arith.cmpi sgt, %add3A_1123, %sign3A_1128 : vector<16xi32>
      %sign3A_1130 = arith.extui %sign3A_1129 : vector<16xi1> to vector<16xi32>
      %sign3A_1131 = arith.constant 0 : i32
      %sign3A_1132 = vector.broadcast %sign3A_1131 : i32 to vector<16xi32>
      %sign3A_1133 = arith.cmpi slt, %add3A_1123, %sign3A_1132 : vector<16xi32>
      %sign3A_1134 = arith.extui %sign3A_1133 : vector<16xi1> to vector<16xi32>
      %sign3A_1135 = arith.subi %sign3A_1130, %sign3A_1134 : vector<16xi32>
      %sign3A_1136 = arith.constant 0 : i32
      %sign3A_1137 = arith.cmpi sgt, %jit3A_1124, %sign3A_1136 : i32
      %sign3A_1138 = arith.extui %sign3A_1137 : i1 to i32
      %sign3A_1139 = arith.constant 0 : i32
      %sign3A_1140 = arith.cmpi slt, %jit3A_1124, %sign3A_1139 : i32
      %sign3A_1141 = arith.extui %sign3A_1140 : i1 to i32
      %sign3A_1142 = arith.subi %sign3A_1138, %sign3A_1141 : i32
      %ne3A_1143 = vector.broadcast %sign3A_1142 : i32 to vector<16xi32>
      %ne3A_1144 = arith.cmpi ne, %sign3A_1135, %ne3A_1143 : vector<16xi32>
      %rem3A_1145 = vector.broadcast %jit3A_1124 : i32 to vector<16xi32>
      %rem3A_1146 = arith.remsi %add3A_1123, %rem3A_1145 : vector<16xi32>
      %ne3A_1147 = arith.constant 0 : i32
      %ne3A_1148 = vector.broadcast %ne3A_1147 : i32 to vector<16xi32>
      %ne3A_1149 = arith.cmpi ne, %rem3A_1146, %ne3A_1148 : vector<16xi32>
      %and3A_1150 = arith.andi %ne3A_1144, %ne3A_1149 : vector<16xi1>
      %sub3A_1151 = arith.constant 1 : i32
      %sub3A_1152 = vector.broadcast %sub3A_1151 : i32 to vector<16xi32>
      %sub3A_1153 = arith.subi %div3A_1126, %sub3A_1152 : vector<16xi32>
      %select_n3A_1154 = arith.select %and3A_1150, %sub3A_1153, %div3A_1126 : vector<16xi1>, vector<16xi32>
      %jit3A_1155 = arith.constant 128 : i32
      %eq3A_1156 = arith.constant 0 : i32
      %eq3A_1157 = arith.cmpi eq, %jit3A_1155, %eq3A_1156 : i32
      %jit3A_1158 = arith.constant 1 : i32
      %select_n3A_1159 = arith.select %eq3A_1157, %jit3A_1158, %jit3A_1155 : i32
      %rem3A_1160 = vector.broadcast %select_n3A_1159 : i32 to vector<16xi32>
      %rem3A_1161 = arith.remsi %add3A_1123, %rem3A_1160 : vector<16xi32>
      %ne3A_1162 = arith.constant 0 : i32
      %ne3A_1163 = vector.broadcast %ne3A_1162 : i32 to vector<16xi32>
      %ne3A_1164 = arith.cmpi ne, %rem3A_1161, %ne3A_1163 : vector<16xi32>
      %lt3A_1165 = arith.constant 0 : i32
      %lt3A_1166 = vector.broadcast %lt3A_1165 : i32 to vector<16xi32>
      %lt3A_1167 = arith.cmpi slt, %rem3A_1161, %lt3A_1166 : vector<16xi32>
      %lt3A_1168 = arith.constant 0 : i32
      %lt3A_1169 = arith.cmpi slt, %select_n3A_1159, %lt3A_1168 : i32
      %ne3A_1170 = vector.broadcast %lt3A_1169 : i1 to vector<16xi1>
      %ne3A_1171 = vector.broadcast %ne3A_1170 : vector<16xi1> to vector<16xi1>
      %ne3A_1172 = arith.xori %lt3A_1167, %ne3A_1171 : vector<16xi1>
      %and3A_1173 = arith.andi %ne3A_1172, %ne3A_1164 : vector<16xi1>
      %add3A_1174 = vector.broadcast %select_n3A_1159 : i32 to vector<16xi32>
      %add3A_1175 = arith.addi %rem3A_1161, %add3A_1174 : vector<16xi32>
      %select_n3A_1176 = arith.select %and3A_1173, %add3A_1175, %rem3A_1161 : vector<16xi1>, vector<16xi32>
      tpu.vector_store_idx %arg11[%select_n3A_1154, %select_n3A_1176], %gather3A : memref<12x128xi32, #tpu.memory_space<vmem>>[vector<16xi32>, vector<16xi32>], vector<16xi32>,
      %jit3A_1177 = arith.constant 128 : i32
      %div3A_1178 = vector.broadcast %jit3A_1177 : i32 to vector<16xi32>
      %div3A_1179 = arith.divsi %add3A_1123, %div3A_1178 : vector<16xi32>
      %sign3A_1180 = arith.constant 0 : i32
      %sign3A_1181 = vector.broadcast %sign3A_1180 : i32 to vector<16xi32>
      %sign3A_1182 = arith.cmpi sgt, %add3A_1123, %sign3A_1181 : vector<16xi32>
      %sign3A_1183 = arith.extui %sign3A_1182 : vector<16xi1> to vector<16xi32>
      %sign3A_1184 = arith.constant 0 : i32
      %sign3A_1185 = vector.broadcast %sign3A_1184 : i32 to vector<16xi32>
      %sign3A_1186 = arith.cmpi slt, %add3A_1123, %sign3A_1185 : vector<16xi32>
      %sign3A_1187 = arith.extui %sign3A_1186 : vector<16xi1> to vector<16xi32>
      %sign3A_1188 = arith.subi %sign3A_1183, %sign3A_1187 : vector<16xi32>
      %sign3A_1189 = arith.constant 0 : i32
      %sign3A_1190 = arith.cmpi sgt, %jit3A_1177, %sign3A_1189 : i32
      %sign3A_1191 = arith.extui %sign3A_1190 : i1 to i32
      %sign3A_1192 = arith.constant 0 : i32
      %sign3A_1193 = arith.cmpi slt, %jit3A_1177, %sign3A_1192 : i32
      %sign3A_1194 = arith.extui %sign3A_1193 : i1 to i32
      %sign3A_1195 = arith.subi %sign3A_1191, %sign3A_1194 : i32
      %ne3A_1196 = vector.broadcast %sign3A_1195 : i32 to vector<16xi32>
      %ne3A_1197 = arith.cmpi ne, %sign3A_1188, %ne3A_1196 : vector<16xi32>
      %rem3A_1198 = vector.broadcast %jit3A_1177 : i32 to vector<16xi32>
      %rem3A_1199 = arith.remsi %add3A_1123, %rem3A_1198 : vector<16xi32>
      %ne3A_1200 = arith.constant 0 : i32
      %ne3A_1201 = vector.broadcast %ne3A_1200 : i32 to vector<16xi32>
      %ne3A_1202 = arith.cmpi ne, %rem3A_1199, %ne3A_1201 : vector<16xi32>
      %and3A_1203 = arith.andi %ne3A_1197, %ne3A_1202 : vector<16xi1>
      %sub3A_1204 = arith.constant 1 : i32
      %sub3A_1205 = vector.broadcast %sub3A_1204 : i32 to vector<16xi32>
      %sub3A_1206 = arith.subi %div3A_1179, %sub3A_1205 : vector<16xi32>
      %select_n3A_1207 = arith.select %and3A_1203, %sub3A_1206, %div3A_1179 : vector<16xi1>, vector<16xi32>
      %jit3A_1208 = arith.constant 128 : i32
      %eq3A_1209 = arith.constant 0 : i32
      %eq3A_1210 = arith.cmpi eq, %jit3A_1208, %eq3A_1209 : i32
      %jit3A_1211 = arith.constant 1 : i32
      %select_n3A_1212 = arith.select %eq3A_1210, %jit3A_1211, %jit3A_1208 : i32
      %rem3A_1213 = vector.broadcast %select_n3A_1212 : i32 to vector<16xi32>
      %rem3A_1214 = arith.remsi %add3A_1123, %rem3A_1213 : vector<16xi32>
      %ne3A_1215 = arith.constant 0 : i32
      %ne3A_1216 = vector.broadcast %ne3A_1215 : i32 to vector<16xi32>
      %ne3A_1217 = arith.cmpi ne, %rem3A_1214, %ne3A_1216 : vector<16xi32>
      %lt3A_1218 = arith.constant 0 : i32
      %lt3A_1219 = vector.broadcast %lt3A_1218 : i32 to vector<16xi32>
      %lt3A_1220 = arith.cmpi slt, %rem3A_1214, %lt3A_1219 : vector<16xi32>
      %lt3A_1221 = arith.constant 0 : i32
      %lt3A_1222 = arith.cmpi slt, %select_n3A_1212, %lt3A_1221 : i32
      %ne3A_1223 = vector.broadcast %lt3A_1222 : i1 to vector<16xi1>
      %ne3A_1224 = vector.broadcast %ne3A_1223 : vector<16xi1> to vector<16xi1>
      %ne3A_1225 = arith.xori %lt3A_1220, %ne3A_1224 : vector<16xi1>
      %and3A_1226 = arith.andi %ne3A_1225, %ne3A_1217 : vector<16xi1>
      %add3A_1227 = vector.broadcast %select_n3A_1212 : i32 to vector<16xi32>
      %add3A_1228 = arith.addi %rem3A_1214, %add3A_1227 : vector<16xi32>
      %select_n3A_1229 = arith.select %and3A_1226, %add3A_1228, %rem3A_1214 : vector<16xi1>, vector<16xi32>
      tpu.vector_store_idx %arg12[%select_n3A_1207, %select_n3A_1229], %gather3A_239 : memref<12x128xi32, #tpu.memory_space<vmem>>[vector<16xi32>, vector<16xi32>], vector<16xi32>,
    } else {
    }
    %add3A_54 = arith.constant 127 : i32
    %add3A_55 = arith.addi %while3A_51, %add3A_54 : i32
    %jit3A_56 = arith.constant 128 : i32
    %div3A_57 = arith.divsi %add3A_55, %jit3A_56 : i32
    %sign3A_58 = arith.constant 0 : i32
    %sign3A_59 = arith.cmpi sgt, %add3A_55, %sign3A_58 : i32
    %sign3A_60 = arith.extui %sign3A_59 : i1 to i32
    %sign3A_61 = arith.constant 0 : i32
    %sign3A_62 = arith.cmpi slt, %add3A_55, %sign3A_61 : i32
    %sign3A_63 = arith.extui %sign3A_62 : i1 to i32
    %sign3A_64 = arith.subi %sign3A_60, %sign3A_63 : i32
    %sign3A_65 = arith.constant 0 : i32
    %sign3A_66 = arith.cmpi sgt, %jit3A_56, %sign3A_65 : i32
    %sign3A_67 = arith.extui %sign3A_66 : i1 to i32
    %sign3A_68 = arith.constant 0 : i32
    %sign3A_69 = arith.cmpi slt, %jit3A_56, %sign3A_68 : i32
    %sign3A_70 = arith.extui %sign3A_69 : i1 to i32
    %sign3A_71 = arith.subi %sign3A_67, %sign3A_70 : i32
    %ne3A_72 = arith.cmpi ne, %sign3A_64, %sign3A_71 : i32
    %rem3A_73 = arith.remsi %add3A_55, %jit3A_56 : i32
    %ne3A_74 = arith.constant 0 : i32
    %ne3A_75 = arith.cmpi ne, %rem3A_73, %ne3A_74 : i32
    %and3A_76 = arith.andi %ne3A_72, %ne3A_75 : i1
    %sub3A_77 = arith.constant 1 : i32
    %sub3A_78 = arith.subi %div3A_57, %sub3A_77 : i32
    %select_n3A_79 = arith.select %and3A_76, %sub3A_78, %div3A_57 : i32
    %while3A_80 = arith.constant 0 : i32
    %while3A_81 = arith.constant 0 : i32
    %while3A_82 = arith.subi %select_n3A_79, %while3A_80 : i32
    %while3A_83 = arith.addi %while3A_80, %while3A_82 : i32
    %while3A_84 = arith.constant 1 : i32
    %while3A_85 = arith.divsi %while3A_82, %while3A_84 : i32
    %while3A_86 = arith.muli %while3A_85, %while3A_84 : i32
    %while3A_87 = arith.addi %while3A_80, %while3A_86 : i32
    %while3A_88 = arith.constant 1 : i32
    %while3A_89 = scf.for %while3A_128 = %while3A_80 to %while3A_87 step %while3A_88 iter_args(%while3A_129 = %while3A_81) -> (i32)  : i32 {
      %mul3A_130 = arith.constant 128 : i32
      %mul3A_131 = arith.muli %while3A_128, %mul3A_130 : i32
      %dma_start3A = arith.constant 0 : i32
      %dma_start3A_132 = tpu.memref_slice %arg13[%mul3A_131, %dma_start3A] : memref<1536x16xf32, #tpu.memory_space<vmem>> -> memref<128x16xf32, #tpu.memory_space<vmem>>
      %dma_start3A_133 = arith.constant 0 : i32
      %dma_start3A_134 = tpu.memref_slice %arg12[%while3A_128, %dma_start3A_133] : memref<12x128xi32, #tpu.memory_space<vmem>> -> memref<1x128xi32, #tpu.memory_space<vmem>>
      %dma_start3A_135 = tpu.memref_squeeze %dma_start3A_134 : memref<1x128xi32, #tpu.memory_space<vmem>> -> memref<128xi32, #tpu.memory_space<vmem>>
      %dma_start3A_136 = arith.constant 0 : i32
      %dma_start3A_137 = arith.constant 0 : i32
      %dma_start3A_138 = tpu.memref_slice %arg2[%dma_start3A_136, %dma_start3A_137] : memref<16384x16xf32, #tpu.memory_space<hbm>> -> memref<16384x16xf32, #tpu.memory_space<hbm>>
      tpu.enqueue_indirect_dma source(%dma_start3A_138 : memref<16384x16xf32, #tpu.memory_space<hbm>>) target(%dma_start3A_132 : memref<128x16xf32, #tpu.memory_space<vmem>>) offsets(%dma_start3A_135 : memref<128xi32, #tpu.memory_space<vmem>>) semaphore(%arg14 : memref<!tpu.dma_semaphore, #tpu.memory_space<semaphore_mem>>)
      %while3A_139 = arith.constant 0 : i32
      scf.yield %while3A_139 : i32
    }
    %while3A_90 = arith.constant 1 : i32
    %while3A_91 = scf.for %while3A_128 = %while3A_87 to %while3A_83 step %while3A_90 iter_args(%while3A_129 = %while3A_89) -> (i32)  : i32 {
      %mul3A_130 = arith.constant 128 : i32
      %mul3A_131 = arith.muli %while3A_128, %mul3A_130 : i32
      %dma_start3A = arith.constant 0 : i32
      %dma_start3A_132 = tpu.memref_slice %arg13[%mul3A_131, %dma_start3A] : memref<1536x16xf32, #tpu.memory_space<vmem>> -> memref<128x16xf32, #tpu.memory_space<vmem>>
      %dma_start3A_133 = arith.constant 0 : i32
      %dma_start3A_134 = tpu.memref_slice %arg12[%while3A_128, %dma_start3A_133] : memref<12x128xi32, #tpu.memory_space<vmem>> -> memref<1x128xi32, #tpu.memory_space<vmem>>
      %dma_start3A_135 = tpu.memref_squeeze %dma_start3A_134 : memref<1x128xi32, #tpu.memory_space<vmem>> -> memref<128xi32, #tpu.memory_space<vmem>>
      %dma_start3A_136 = arith.constant 0 : i32
      %dma_start3A_137 = arith.constant 0 : i32
      %dma_start3A_138 = tpu.memref_slice %arg2[%dma_start3A_136, %dma_start3A_137] : memref<16384x16xf32, #tpu.memory_space<hbm>> -> memref<16384x16xf32, #tpu.memory_space<hbm>>
      tpu.enqueue_indirect_dma source(%dma_start3A_138 : memref<16384x16xf32, #tpu.memory_space<hbm>>) target(%dma_start3A_132 : memref<128x16xf32, #tpu.memory_space<vmem>>) offsets(%dma_start3A_135 : memref<128xi32, #tpu.memory_space<vmem>>) semaphore(%arg14 : memref<!tpu.dma_semaphore, #tpu.memory_space<semaphore_mem>>)
      %while3A_139 = arith.constant 0 : i32
      scf.yield %while3A_139 : i32
    }
    %while3A_92 = arith.constant 0 : i32
    %while3A_93 = arith.constant 0 : i32
    %while3A_94 = arith.subi %select_n3A_79, %while3A_92 : i32
    %while3A_95 = arith.addi %while3A_92, %while3A_94 : i32
    %while3A_96 = arith.constant 1 : i32
    %while3A_97 = arith.divsi %while3A_94, %while3A_96 : i32
    %while3A_98 = arith.muli %while3A_97, %while3A_96 : i32
    %while3A_99 = arith.addi %while3A_92, %while3A_98 : i32
    %while3A_100 = arith.constant 1 : i32
    %while3A_101 = scf.for %while3A_128 = %while3A_92 to %while3A_99 step %while3A_100 iter_args(%while3A_129 = %while3A_93) -> (i32)  : i32 {
      %mul3A_130 = arith.constant 128 : i32
      %mul3A_131 = arith.muli %while3A_128, %mul3A_130 : i32
      %dma_wait3A = arith.constant 0 : i32
      %dma_wait3A_132 = tpu.memref_slice %arg13[%mul3A_131, %dma_wait3A] : memref<1536x16xf32, #tpu.memory_space<vmem>> -> memref<128x16xf32, #tpu.memory_space<vmem>>
      %dma_wait3A_133 = arith.constant 0 : i32
      %dma_wait3A_134 = tpu.memref_slice %arg12[%while3A_128, %dma_wait3A_133] : memref<12x128xi32, #tpu.memory_space<vmem>> -> memref<1x128xi32, #tpu.memory_space<vmem>>
      %dma_wait3A_135 = tpu.memref_squeeze %dma_wait3A_134 : memref<1x128xi32, #tpu.memory_space<vmem>> -> memref<128xi32, #tpu.memory_space<vmem>>
      %dma_wait3A_136 = arith.constant 0 : i32
      %dma_wait3A_137 = arith.constant 0 : i32
      %dma_wait3A_138 = tpu.memref_slice %arg2[%dma_wait3A_136, %dma_wait3A_137] : memref<16384x16xf32, #tpu.memory_space<hbm>> -> memref<16384x16xf32, #tpu.memory_space<hbm>>
      tpu.wait_indirect_dma semaphore(%arg14 : memref<!tpu.dma_semaphore, #tpu.memory_space<semaphore_mem>>) src(%dma_wait3A_138 : memref<16384x16xf32, #tpu.memory_space<hbm>>) dst(%dma_wait3A_132 : memref<128x16xf32, #tpu.memory_space<vmem>>)
      %while3A_139 = arith.constant 0 : i32
      scf.yield %while3A_139 : i32
    }
    %while3A_102 = arith.constant 1 : i32
    %while3A_103 = scf.for %while3A_128 = %while3A_99 to %while3A_95 step %while3A_102 iter_args(%while3A_129 = %while3A_101) -> (i32)  : i32 {
      %mul3A_130 = arith.constant 128 : i32
      %mul3A_131 = arith.muli %while3A_128, %mul3A_130 : i32
      %dma_wait3A = arith.constant 0 : i32
      %dma_wait3A_132 = tpu.memref_slice %arg13[%mul3A_131, %dma_wait3A] : memref<1536x16xf32, #tpu.memory_space<vmem>> -> memref<128x16xf32, #tpu.memory_space<vmem>>
      %dma_wait3A_133 = arith.constant 0 : i32
      %dma_wait3A_134 = tpu.memref_slice %arg12[%while3A_128, %dma_wait3A_133] : memref<12x128xi32, #tpu.memory_space<vmem>> -> memref<1x128xi32, #tpu.memory_space<vmem>>
      %dma_wait3A_135 = tpu.memref_squeeze %dma_wait3A_134 : memref<1x128xi32, #tpu.memory_space<vmem>> -> memref<128xi32, #tpu.memory_space<vmem>>
      %dma_wait3A_136 = arith.constant 0 : i32
      %dma_wait3A_137 = arith.constant 0 : i32
      %dma_wait3A_138 = tpu.memref_slice %arg2[%dma_wait3A_136, %dma_wait3A_137] : memref<16384x16xf32, #tpu.memory_space<hbm>> -> memref<16384x16xf32, #tpu.memory_space<hbm>>
      tpu.wait_indirect_dma semaphore(%arg14 : memref<!tpu.dma_semaphore, #tpu.memory_space<semaphore_mem>>) src(%dma_wait3A_138 : memref<16384x16xf32, #tpu.memory_space<hbm>>) dst(%dma_wait3A_132 : memref<128x16xf32, #tpu.memory_space<vmem>>)
      %while3A_139 = arith.constant 0 : i32
      scf.yield %while3A_139 : i32
    }
    %while3A_104 = arith.constant 0 : i32
    %while3A_105 = arith.constant 0 : i32
    %while3A_106 = arith.subi %select_n3A_79, %while3A_104 : i32
    %while3A_107 = arith.addi %while3A_104, %while3A_106 : i32
    %while3A_108 = arith.constant 1 : i32
    %while3A_109 = arith.divsi %while3A_106, %while3A_108 : i32
    %while3A_110 = arith.muli %while3A_109, %while3A_108 : i32
    %while3A_111 = arith.addi %while3A_104, %while3A_110 : i32
    %while3A_112 = arith.constant 1 : i32
    %while3A_113 = scf.for %while3A_128 = %while3A_104 to %while3A_111 step %while3A_112 iter_args(%while3A_129 = %while3A_105) -> (i32)  : i32 {
      %mul3A_130 = arith.constant 128 : i32
      %mul3A_131 = arith.muli %while3A_128, %mul3A_130 : i32
      %dma_start3A = arith.constant 0 : i32
      %dma_start3A_132 = tpu.memref_slice %arg13[%mul3A_131, %dma_start3A] : memref<1536x16xf32, #tpu.memory_space<vmem>> -> memref<128x16xf32, #tpu.memory_space<vmem>>
      %dma_start3A_133 = arith.constant 0 : i32
      %dma_start3A_134 = tpu.memref_slice %arg11[%while3A_128, %dma_start3A_133] : memref<12x128xi32, #tpu.memory_space<vmem>> -> memref<1x128xi32, #tpu.memory_space<vmem>>
      %dma_start3A_135 = tpu.memref_squeeze %dma_start3A_134 : memref<1x128xi32, #tpu.memory_space<vmem>> -> memref<128xi32, #tpu.memory_space<vmem>>
      %dma_start3A_136 = arith.constant 0 : i32
      %dma_start3A_137 = arith.constant 0 : i32
      %dma_start3A_138 = tpu.memref_slice %arg4[%dma_start3A_136, %dma_start3A_137] : memref<1000000x16xf32, #tpu.memory_space<hbm>> -> memref<1000000x16xf32, #tpu.memory_space<hbm>>
      tpu.enqueue_indirect_dma source(%dma_start3A_132 : memref<128x16xf32, #tpu.memory_space<vmem>>) target(%dma_start3A_138 : memref<1000000x16xf32, #tpu.memory_space<hbm>>) offsets(%dma_start3A_135 : memref<128xi32, #tpu.memory_space<vmem>>) semaphore(%arg15 : memref<!tpu.dma_semaphore, #tpu.memory_space<semaphore_mem>>)
      %while3A_139 = arith.constant 0 : i32
      scf.yield %while3A_139 : i32
    }
    %while3A_114 = arith.constant 1 : i32
    %while3A_115 = scf.for %while3A_128 = %while3A_111 to %while3A_107 step %while3A_114 iter_args(%while3A_129 = %while3A_113) -> (i32)  : i32 {
      %mul3A_130 = arith.constant 128 : i32
      %mul3A_131 = arith.muli %while3A_128, %mul3A_130 : i32
      %dma_start3A = arith.constant 0 : i32
      %dma_start3A_132 = tpu.memref_slice %arg13[%mul3A_131, %dma_start3A] : memref<1536x16xf32, #tpu.memory_space<vmem>> -> memref<128x16xf32, #tpu.memory_space<vmem>>
      %dma_start3A_133 = arith.constant 0 : i32
      %dma_start3A_134 = tpu.memref_slice %arg11[%while3A_128, %dma_start3A_133] : memref<12x128xi32, #tpu.memory_space<vmem>> -> memref<1x128xi32, #tpu.memory_space<vmem>>
      %dma_start3A_135 = tpu.memref_squeeze %dma_start3A_134 : memref<1x128xi32, #tpu.memory_space<vmem>> -> memref<128xi32, #tpu.memory_space<vmem>>
      %dma_start3A_136 = arith.constant 0 : i32
      %dma_start3A_137 = arith.constant 0 : i32
      %dma_start3A_138 = tpu.memref_slice %arg4[%dma_start3A_136, %dma_start3A_137] : memref<1000000x16xf32, #tpu.memory_space<hbm>> -> memref<1000000x16xf32, #tpu.memory_space<hbm>>
      tpu.enqueue_indirect_dma source(%dma_start3A_132 : memref<128x16xf32, #tpu.memory_space<vmem>>) target(%dma_start3A_138 : memref<1000000x16xf32, #tpu.memory_space<hbm>>) offsets(%dma_start3A_135 : memref<128xi32, #tpu.memory_space<vmem>>) semaphore(%arg15 : memref<!tpu.dma_semaphore, #tpu.memory_space<semaphore_mem>>)
      %while3A_139 = arith.constant 0 : i32
      scf.yield %while3A_139 : i32
    }
    %while3A_116 = arith.constant 0 : i32
    %while3A_117 = arith.constant 0 : i32
    %while3A_118 = arith.subi %select_n3A_79, %while3A_116 : i32
    %while3A_119 = arith.addi %while3A_116, %while3A_118 : i32
    %while3A_120 = arith.constant 1 : i32
    %while3A_121 = arith.divsi %while3A_118, %while3A_120 : i32
    %while3A_122 = arith.muli %while3A_121, %while3A_120 : i32
    %while3A_123 = arith.addi %while3A_116, %while3A_122 : i32
    %while3A_124 = arith.constant 1 : i32
    %while3A_125 = scf.for %while3A_128 = %while3A_116 to %while3A_123 step %while3A_124 iter_args(%while3A_129 = %while3A_117) -> (i32)  : i32 {
      %mul3A_130 = arith.constant 128 : i32
      %mul3A_131 = arith.muli %while3A_128, %mul3A_130 : i32
      %dma_wait3A = arith.constant 0 : i32
      %dma_wait3A_132 = tpu.memref_slice %arg13[%mul3A_131, %dma_wait3A] : memref<1536x16xf32, #tpu.memory_space<vmem>> -> memref<128x16xf32, #tpu.memory_space<vmem>>
      %dma_wait3A_133 = arith.constant 0 : i32
      %dma_wait3A_134 = tpu.memref_slice %arg11[%while3A_128, %dma_wait3A_133] : memref<12x128xi32, #tpu.memory_space<vmem>> -> memref<1x128xi32, #tpu.memory_space<vmem>>
      %dma_wait3A_135 = tpu.memref_squeeze %dma_wait3A_134 : memref<1x128xi32, #tpu.memory_space<vmem>> -> memref<128xi32, #tpu.memory_space<vmem>>
      %dma_wait3A_136 = arith.constant 0 : i32
      %dma_wait3A_137 = arith.constant 0 : i32
      %dma_wait3A_138 = tpu.memref_slice %arg4[%dma_wait3A_136, %dma_wait3A_137] : memref<1000000x16xf32, #tpu.memory_space<hbm>> -> memref<1000000x16xf32, #tpu.memory_space<hbm>>
      tpu.wait_indirect_dma semaphore(%arg15 : memref<!tpu.dma_semaphore, #tpu.memory_space<semaphore_mem>>) src(%dma_wait3A_132 : memref<128x16xf32, #tpu.memory_space<vmem>>) dst(%dma_wait3A_138 : memref<1000000x16xf32, #tpu.memory_space<hbm>>)
      %while3A_139 = arith.constant 0 : i32
      scf.yield %while3A_139 : i32
    }
    %while3A_126 = arith.constant 1 : i32
    %while3A_127 = scf.for %while3A_128 = %while3A_123 to %while3A_119 step %while3A_126 iter_args(%while3A_129 = %while3A_125) -> (i32)  : i32 {
      %mul3A_130 = arith.constant 128 : i32
      %mul3A_131 = arith.muli %while3A_128, %mul3A_130 : i32
      %dma_wait3A = arith.constant 0 : i32
      %dma_wait3A_132 = tpu.memref_slice %arg13[%mul3A_131, %dma_wait3A] : memref<1536x16xf32, #tpu.memory_space<vmem>> -> memref<128x16xf32, #tpu.memory_space<vmem>>
      %dma_wait3A_133 = arith.constant 0 : i32
      %dma_wait3A_134 = tpu.memref_slice %arg11[%while3A_128, %dma_wait3A_133] : memref<12x128xi32, #tpu.memory_space<vmem>> -> memref<1x128xi32, #tpu.memory_space<vmem>>
      %dma_wait3A_135 = tpu.memref_squeeze %dma_wait3A_134 : memref<1x128xi32, #tpu.memory_space<vmem>> -> memref<128xi32, #tpu.memory_space<vmem>>
      %dma_wait3A_136 = arith.constant 0 : i32
      %dma_wait3A_137 = arith.constant 0 : i32
      %dma_wait3A_138 = tpu.memref_slice %arg4[%dma_wait3A_136, %dma_wait3A_137] : memref<1000000x16xf32, #tpu.memory_space<hbm>> -> memref<1000000x16xf32, #tpu.memory_space<hbm>>
      tpu.wait_indirect_dma semaphore(%arg15 : memref<!tpu.dma_semaphore, #tpu.memory_space<semaphore_mem>>) src(%dma_wait3A_132 : memref<128x16xf32, #tpu.memory_space<vmem>>) dst(%dma_wait3A_138 : memref<1000000x16xf32, #tpu.memory_space<hbm>>)
      %while3A_139 = arith.constant 0 : i32
      scf.yield %while3A_139 : i32
    }
    return
  }
}

</mosaic_0001>

<sc_bundles>
// kernel: key_memory_scatter.3.cloned.1.call-start
scs
__scs_entry_jumppad:
0x0: {  	(pc) =	sbr.rel $0x88, $3  }
0x1: {  	(tag) =	ssettag $0x0;
	lr =	simm.s32 $0x1  }
0x2: {  	[smem:$0x3F9E] =	sst lr;
	_ =	strace $0xD0000000  }
0x3: {  	_ = 	snop  }
0x4: {  	_ = 	snop  }
0x5: {  	_ = 	snop  }
0x6: {  	_ = 	snop  }
0x7: {  	_ = 	snop  }
__scs_overlays_trampoline_lowered:
0x8: {  	[smem:$0x3FAD] =	sst s0  }
0x9: {  	[smem:$0x3FAE] =	sst s1  }
0xa: {  	[smem:$0x3FAF] =	sst s2  }
0xb: {  	[smem:$0x3FB0] =	sst s3  }
0xc: {  	[smem:$0x3FB1] =	sst s4  }
0xd: {  	[smem:$0x3FB2] =	sst s5  }
0xe: {  	[smem:$0x3FB3] =	sst s6  }
0xf: {  	[smem:$0x3FB4] =	sst s7  }
0x10: {  	[smem:$0x3FB5] =	sst s8  }
0x11: {  	[smem:$0x3FB6] =	sst s9;
	s0 =	simm.s32 @!p0 $0x0  }
0x12: {  	s1 =	sld [smem:$0x3F9C];
	s0 =	simm.s32 @p0 $0x1  }
0x13: {  	[smem:$0x3FB7] =	sst s0;
	s0 =	simm.s32 @!p1 $0x0  }
0x14: {  	s2 =	sld [smem:$0x3F9B];
	s0 =	simm.s32 @p1 $0x1  }
0x15: {  	[smem:$0x3FB8] =	sst s0;
	s0 =	simm.s32 @!p2 $0x0  }
0x16: {  	s3 =	sld [smem:$0x3FDB];
	s0 =	simm.s32 @p2 $0x1  }
0x17: {  	s4 =	simm.s32 $0x1BF5;
	[smem:$0x3FBA] =	sst s0  }
0x18: {  	s0 =	sld [smem:$0x3F9D];
	_ =	swait.ge [sflag:s4], $0x0  }
0x19: {  	s7 =	sld [smem:$0x3F9E]  }
0x1a: {  	s8 =	sadd.s32 $0xFFFFE003, lr  }
0x1b: {  	s9 =	sadd.s32 $0xFFFFFEF7, lr;
	s5 =	simm.s32 $0xFFFFFFFF;
	p2 =	slt.u32 s8, $0xFFFFF086  }
0x1c: {  	p1 =	slt.u32 s9, $0xF7A;
	s5 =	simm.s32 @!p2 $0x0  }
0x1d: {  	s5 =	simm.s32 @p1 $0x1;
	p0 =	seq.s32 s7, s2  }
0x1e: {  	s7 =	smul.u32 @!p0 $0xF7A, s2;
	p2 =	seq.s32 @!p0 s5, $0x0  }
0x1f: {  	s9 =	smul.u32 $0xF7A, s1;
	s8 =	simm.s32 @!p0 $0x1BF5;
	p2 =	por !p2, p0  }
0x20: {  	[sflag:s8] =	ssyncset.s32 @!p0 $0xFFFFF086;
	s6 =	sadd.s32 @!p0 s3, s7;
	s7 =	simm.s32 @!p0 $0x108  }
0x21: {  	s3 =	sadd.s32 s3, s9;
	s6 =	sadd.s32 @!p0 $0x88, s6;
	s7 =	simm.s32 @p2 $0x1082  }
0x22: {  	[simem:s7], [sflag:s8] =	dma.local @!p0 [hbm:s6], $0xF7A  }
0x23: {  	s9 =	sor.u32 $0xD0000000, s2;
	s6 =	simm.s32 $0x108;
	_ =	swait.ge @!p0 [sflag:s8], $0x0  }
0x24: {  	s3 =	sadd.s32 $0x88, s3;
	s6 =	simm.s32 @!p1 $0x1082;
	[sflag:s4] =	ssyncset.s32 $0xFFFFF086  }
0x25: {  	[simem:s6], [sflag:s4] =	dma.local [hbm:s3], $0xF7A  }
0x26: {  	[smem:$0x3F9E] =	sst s1;
	(tag) =	ssettag s2;
	_ =	strace s9  }
0x27: {  	s1 =	sld [smem:$0x3FAE]  }
0x28: {  	s2 =	sld [smem:$0x3FAF]  }
0x29: {  	s4 =	sld [smem:$0x3FB1]  }
0x2a: {  	p0 =	seq.s32 s5, $0x0;
	s5 =	sld [smem:$0x3FB2]  }
0x2b: {  	s6 =	sld [smem:$0x3FB3]  }
0x2c: {  	s7 =	sld [smem:$0x3FB4]  }
0x2d: {  	s3 =	simm.s32 $0x108;
	s8 =	sld [smem:$0x3FB5]  }
0x2e: {  	s3 =	simm.s32 @!p0 $0x1082;
	s9 =	sld [smem:$0x3FB6]  }
0x2f: {  	lr =	sadd.s32 s0, s3;
	s0 =	sld [smem:$0x3FAD]  }
0x30: {  	s3 =	sld [smem:$0x3FB0]  }
0x31: {  	[smem:$0x3FB9] =	sst s10  }
0x32: {  	s10 =	sld [smem:$0x3FB7];
	_ =	sdelay $0x3  }
0x33: {  	p0 =	seq.s32 s10, $0x1;
	s10 =	sld [smem:$0x3FB9];
	_ =	sdelay $0x3  }
0x34: {  	[smem:$0x3FB9] =	sst s10  }
0x35: {  	s10 =	sld [smem:$0x3FB8];
	_ =	sdelay $0x3  }
0x36: {  	p1 =	seq.s32 s10, $0x1;
	s10 =	sld [smem:$0x3FB9];
	_ =	sdelay $0x3  }
0x37: {  	[smem:$0x3FB9] =	sst s10  }
0x38: {  	s10 =	sld [smem:$0x3FBA]  }
0x39: {  	_ = 	snop;
	(pc) =	sbr.ind lr, $3  }
0x3a: {  	_ = 	snop  }
0x3b: {  	_ = 	snop  }
0x3c: {  	p2 =	seq.s32 s10, $0x1;
	s10 =	sld [smem:$0x3FB9]  }
0x3d: {  	_ =	shalt  }
0x3e: {  	_ =	shalt  }
0x3f: {  	_ =	shalt  }
0x40: {  	_ =	shalt  }
0x41: {  	_ =	shalt  }
0x42: {  	_ =	shalt  }
0x43: {  	_ =	shalt  }
0x44: {  	_ =	shalt  }
0x45: {  	_ =	shalt  }
0x46: {  	_ =	shalt  }
0x47: {  	_ =	shalt  }
0x48: {  	_ =	shalt  }
0x49: {  	_ =	shalt  }
0x4a: {  	_ =	shalt  }
0x4b: {  	_ =	shalt  }
0x4c: {  	_ =	shalt  }
0x4d: {  	_ =	shalt  }
0x4e: {  	_ =	shalt  }
0x4f: {  	_ =	shalt  }
0x50: {  	_ =	shalt  }
0x51: {  	_ =	shalt  }
0x52: {  	_ =	shalt  }
0x53: {  	_ =	shalt  }
0x54: {  	_ =	shalt  }
0x55: {  	_ =	shalt  }
0x56: {  	_ =	shalt  }
0x57: {  	_ =	shalt  }
0x58: {  	_ =	shalt  }
0x59: {  	_ =	shalt  }
0x5a: {  	_ =	shalt  }
0x5b: {  	_ =	shalt  }
0x5c: {  	_ =	shalt  }
0x5d: {  	_ =	shalt  }
0x5e: {  	_ =	shalt  }
0x5f: {  	_ =	shalt  }
0x60: {  	_ =	shalt  }
0x61: {  	_ =	shalt  }
0x62: {  	_ =	shalt  }
0x63: {  	_ =	shalt  }
0x64: {  	_ =	shalt  }
0x65: {  	_ =	shalt  }
0x66: {  	_ =	shalt  }
0x67: {  	_ =	shalt  }
0x68: {  	_ =	shalt  }
0x69: {  	_ =	shalt  }
0x6a: {  	_ =	shalt  }
0x6b: {  	_ =	shalt  }
0x6c: {  	_ =	shalt  }
0x6d: {  	_ =	shalt  }
0x6e: {  	_ =	shalt  }
0x6f: {  	_ =	shalt  }
0x70: {  	_ =	shalt  }
0x71: {  	_ =	shalt  }
0x72: {  	_ =	shalt  }
0x73: {  	_ =	shalt  }
0x74: {  	_ =	shalt  }
0x75: {  	_ =	shalt  }
0x76: {  	_ =	shalt  }
0x77: {  	_ =	shalt  }
0x78: {  	_ =	shalt  }
0x79: {  	_ =	shalt  }
0x7a: {  	_ =	shalt  }
0x7b: {  	_ =	shalt  }
0x7c: {  	_ =	shalt  }
0x7d: {  	_ =	shalt  }
0x7e: {  	_ =	shalt  }
0x7f: {  	_ =	shalt  }
0x80: {  	_ =	shalt  }
0x81: {  	_ =	shalt  }
0x82: {  	_ =	shalt  }
0x83: {  	_ =	shalt  }
0x84: {  	_ =	shalt  }
0x85: {  	_ =	shalt  }
0x86: {  	_ =	shalt  }
0x87: {  	_ =	shalt  }
.Lfunc_end0:
.L_simem_size_0:
called_computation.1_lowered:
.L_overlay_start_0:
0x88: {  	s2 =	sld [smem:$0x3FD9]  }
0x89: {  	s3 =	sld [smem:$0x3FFE];
	_ =	sdelay $0x1  }
0x8a: {  	s1 =	srdreg.scid  }
0x8b: {  	s0 =	sand.u32 $0x1, s1  }
0x8c: {  	s17 =	sshll.u32 s0, $0xA;
	s2 =	sadd.s32 s3, s2  }
0x8d: {  	s2 =	sadd.s32 s2, s17  }
0x8e: {  	[smem:$0x3FC5] =	sst s2  }
0x8f: {  	_ = 	snop  }
0x90: {  	s2 =	sld [smem:$0x3FC8]  }
0x91: {  	s18 =	sld [smem:$0x3FD0];
	(tm) =	ssettm $0x1  }
0x92: {  	s4 =	sld [smem:$0x3FFB];
	_ =	sdelay $0x3  }
0x93: {  	_ =	strace s4  }
0x94: {  	s4 =	sld [smem:$0x3FFC];
	_ =	sdelay $0x3  }
0x95: {  	_ =	strace s4  }
0x96: {  	s4 =	sld [smem:$0x3FFD];
	_ =	sdelay $0x3  }
0x97: {  	_ =	strace s4  }
0x98: {  	_ =	strace $0x8FFFFFFF  }
0x99: {  	s19 =	sld [smem:$0x3FDB];
	_ =	sdelay $0x1  }
0x9a: {  	s5 =	simm.s32 $_scs_section_size  }
0x9b: {  	s6 =	simm.s32 $_size__tile_overlayer_lowered;
	s7 =	simm.s32 $_tile_overlayer_lowered  }
0x9c: {  	s22 =	simm.s32 $0x1BFF;
	s21 =	sshll.u32 s7, $0x1;
	s4 =	sadd.s32 s5, s19  }
0x9d: {  	s8 =	simm.s32 $0x0;
	s20 =	sshll.u32 s6, $0x1;
	s6 =	sadd.s32 s21, s4  }
0x9e: {  	[timem:s8], [sflag:s22] =	dma.local [hbm:s6], s20  }
0x9f: {  	_ =	swait.ge [sflag:s22], s20  }
0xa0: {  	s5 =	ssub.s32 $0x0, s20;
	[sflag:s22] =	ssyncset.done $0x0  }
0xa1: {  	[sflag:s22] =	ssyncadd.s32 s5;
	_ =	sdelay $0x1  }
0xa2: {  	s23 =	simm.s32 $0x1B8B  }
0xa3: {  	_ =	swait.ge [sflag:s23], $0x1  }
0xa4: {  	[sflag:s23] =	ssyncset.done $0x0  }
0xa5: {  	s25 =	simm.s32 $0x1B8E;
	s24 =	sld [smem:$0x3FFE];
	[sflag:s23] =	ssyncadd.s32 $0xFFFFFFFF  }
0xa6: {  	s26 =	simm.s32 $execute0_lowered;
	[smem:$0x3FD2] =	sst s25  }
0xa7: {  	s6 =	sshll.u32 s26, $0x1;
	_ =	strace $0x80000046;
	[dreg:$0x1] =	wrdreg $0xFFFFFFFF  }
0xa8: {  	s28 =	simm.s32 $_size_execute0_lowered;
	s4 =	sadd.s32 s4, s6;
	[dreg:$0x0] =	wrdreg $0x0  }
0xa9: {  	s6 =	sshll.u32 s28, $0x1;
	[dreg:$0x2] =	wrdreg s4  }
0xaa: {  	[dreg:$0x3] =	wrdreg s6  }
0xab: {  	[dreg:$0x4] =	wrdreg $0xC0  }
0xac: {  	_ =	task [dreg:s8], $0x5FFFF  }
0xad: {  	[dreg:$0x1] =	wrdreg $0xFFFFFFFF  }
0xae: {  	[dreg:$0x0] =	wrdreg $0x60  }
0xaf: {  	[dreg:$0x2] =	wrdreg s24  }
0xb0: {  	[dreg:$0x3] =	wrdreg s2  }
0xb1: {  	[dreg:$0x4] =	wrdreg s18  }
0xb2: {  	[dreg:$0x5] =	wrdreg $0x9  }
0xb3: {  	_ =	task.clear_ibuf [dreg:s8], $0x6FFFF;
	_ =	strace $0x90000046  }
0xb4: {  	s29 =	simm.s32 $0x9;
	_ =	strace $0x80000048  }
0xb5: {  	_ =	swait.ge [sflag:s29], $0x1  }
0xb6: {  	[sflag:s29] =	ssyncadd.s32 $0xFFFFFFFF  }
0xb7: {  	_ =	strace $0x90000048  }
0xb8: {  	_ =	sfence  }
0xb9: {  	s30 =	sld [smem:$0x0];
	_ =	sdelay $0x2  }
0xba: {  	s31 =	sshll.u32 s1, $0xD;
	s1 =	sshrl.u32 s1, $0x2  }
0xbb: {  	s3 =	sand.u32 $0x4000, s31;
	s1 =	sadd.s32 s1, s30  }
0xbc: {  	s0 =	sor.u32 s3, s0;
	s1 =	sshll.u32 s1, $0x11  }
0xbd: {  	s0 =	sor.u32 s1, s0  }
0xbe: {  	s0 =	sadd.s32 $0x8F2B, s0  }
0xbf: {  	[sflag:s0] =	ssyncadd.remote.s32 $0x1  }
0xc0: {  	_ =	sfence.sel $0xFFFF  }
0xc1: {  	[dreg:$0x0] =	wrdreg $0xFFFFFFFF;
	(pc) =	sbr.abs _section_cstart, $3  }
0xc2: {  	[dreg:$0x1] =	wrdreg $0xFFFFFFFF  }
0xc3: {  	_ =	task.clear_ibuf [dreg:s8], $0x2FFFF;
	_ =	strace $0x9FFFFFFF  }
0xc4: {  	(tm) =	ssettm $0x7FFFFFFF  }
0xc5: {  	_ =	shalt  }
tec
execute0_lowered:
.L_overlay_start_1:
0x0: {  	(tag) =	ssettag $0x1  }
0x1: {  	s4 =	rddreg [dreg:$0x0]  }
0x2: {  	s1 =	srdreg.scid;
	s2 =	rddreg [dreg:$0x1]  }
0x3: {  	s0 =	stileid.u32;
	s3 =	rddreg [dreg:$0x2]  }
0x4: {  	s7 =	simm.s32 $0x3;
	s8 =	simm.s32 $0x4000;
	s9 =	simm.s32 $0x4600  }
0x5: {  	s10 =	simm.s32 $0x1;
	s12 =	simm.s32 $0xCC18;
	s13 =	simm.s32 $0xD218  }
0x6: {  	s15 =	simm.s32 $0x2;
	s5 =	sand.u32 $0x1, s1;
	s30 =	sshll.u32 s0, $0x1  }
.Ltmp0:
0x7: {  	s16 =	simm.s32 $0x0;
	s6 =	sor.u32 s5, s30;
	(pc) =	sbr.rel .LBB2_1-.Ltmp0, $4  }
0x8: {  	s1 =	rddreg [dreg:$0x3];
	s5 =	ssub.s32 $0x2, s5;
	s11 =	smul.u32 $0x7A12, s6  }
0x9: {  	_ =	strace $0x80000047;
	s4 =	sadd.s32 $0xA00, s4;
	s31 =	sshrl.u32 s5, $0x1  }
0xa: {  	v2 =	vimm.s32 $0x0;
	s6 =	simm.s32 $0x0;
	s5 =	ssub.s32 s5, s31;
	s14 =	sadd.s32 $0x7A12, s11  }
0xb: {  	v3 =	vlaneseq.u32;
	s5 =	smax.u32 s5, $0x1;
	v0 =	vmov s11;
	s11 =	simm.s32 $0x5200;
	v1 =	vmov s14;
	s14 =	simm.s32 $0x80  }
.LBB2_23:
0xc: {  	[sflag:s15] =	ssyncadd.s32 $0xFFFFF800  }
.LBB2_24:
0xd: {  	s16 =	sadd.s32 $0x1, s16  }
0xe: {  	p0 =	sne.s32 s16, s5  }
.Ltmp1:
0xf: {  	_ = 	snop;
	(pc) =	sbr.rel @!p0 .LBB2_25-.Ltmp1, $1  }
0x10: {  	_ =	sdelay $0x3  }
.LBB2_1:
0x11: {  	[tilespmem:s6], [sflag:$0x3] =	stream.linear.gather [hbm4b:s2+s6], $0x4000, $0x38;
	[tilespmem:$0x13818] =	vst v63  }
0x12: {  	_ =	swait.ge [sflag:s7], $0x4000  }
0x13: {  	[sflag:s7] =	ssyncset.done $0x0  }
0x14: {  	[sflag:s7] =	ssyncadd.s32 $0xFFFFC000  }
0x15: {  	v4 =	vld [tilespmem:s6+$0x0];
	_ =	sdelay $0x4  }
0x16: {  	vm0 =	vge.s32 v4, v0;
	vm1 =	vlt.s32 v4, v1  }
0x17: {  	vm0 =	vmand vm0, vm1  }
0x18: {  	v5 =	vsel vm0, $0x1, v2  }
0x19: {  	(xrf0) =	vadd.scan.msk.s32 $0xffff, v5;
	_ =	sdelay $0x5  }
0x1a: {  	v6, _, _ =	vpop (xrf0)  }
0x1b: {  	v5 =	vmov s6;
	v7 =	vxor.u32 $0x80000000, v6  }
0x1c: {  	v5 =	vadd.s32 $0xFFFFFFFF, v5;
	(xrf0) =	vmax.scan.msk.u32 $0xffff, v7  }
0x1d: {  	v5 =	vbroadcast v5, $0x0;
	_ =	sdelay $0x1  }
0x1e: {  	v5 =	vadd.s32 v6, v5;
	_ =	sdelay $0x2  }
0x1f: {  	v6, _, _ =	vpop (xrf0)  }
0x20: {  	(v2sf) =	vpush v6, $0xF  }
0x21: {  	[tilespmem:v5+s8+$0x0] =	vst.idx.msk vm0, v4;
	v4 =	vor.u32 s6, v3  }
0x22: {  	s17 =	simm.s32 $0x10;
	[tilespmem:v5+s9+$0x0] =	vst.idx.msk vm0, v4  }
0x23: {  	s19 =	simm.s32 $0x20;
	s18 =	simm.s32 $0x0;
	s20 =	simm.s32 $0x10;
	v4 =	vld [tilespmem:s17+$0x0]  }
.LBB2_2:
0x24: {  	p0 =	sne.s32 s19, $0x3FF0;
	_ =	sdelay $0x3  }
0x25: {  	vm0 =	vge.s32 v4, v0;
	vm1 =	vlt.s32 v4, v1  }
0x26: {  	vm0 =	vmand vm0, vm1  }
0x27: {  	v5 =	vsel vm0, $0x1, v2  }
0x28: {  	(xrf0) =	vadd.scan.msk.s32 $0xffff, v5;
	_ =	sdelay $0x3  }
0x29: {  	s21 =	spop (v2sf)  }
0x2a: {  	s18 =	sadd.s32 s21, s18  }
0x2b: {  	v5, _, _ =	vpop (xrf0);
	s18 =	sadd.s32 $0x80000000, s18  }
0x2c: {  	v6 =	vmov s18;
	v7 =	vxor.u32 $0x80000000, v5  }
0x2d: {  	v6 =	vadd.s32 $0xFFFFFFFF, v6;
	(xrf0) =	vmax.scan.msk.u32 $0xffff, v7  }
0x2e: {  	v6 =	vbroadcast v6, $0x0;
	_ =	sdelay $0x1  }
0x2f: {  	v5 =	vadd.s32 v5, v6;
	_ =	sdelay $0x2  }
.Ltmp2:
0x30: {  	v6, _, _ =	vpop (xrf0);
	(pc) =	sbr.rel @p0 .LBB2_2-.Ltmp2, $4  }
0x31: {  	(v2sf) =	vpush v6, $0xF  }
0x32: {  	[tilespmem:v5+s8+$0x0] =	vst.idx.msk vm0, v4;
	v4 =	vor.u32 s17, v3;
	s17 =	smov.u32 s19  }
0x33: {  	s20 =	sadd.s32 $0x10, s20;
	[tilespmem:v5+s9+$0x0] =	vst.idx.msk vm0, v4  }
0x34: {  	s19 =	sadd.s32 $0x10, s19;
	v4 =	vld [tilespmem:s20+$0x0]  }
0x35: {  	_ =	sdelay $0x3  }
0x36: {  	vm0 =	vge.s32 v4, v0;
	vm1 =	vlt.s32 v4, v1  }
0x37: {  	vm0 =	vmand vm0, vm1  }
0x38: {  	v5 =	vsel vm0, $0x1, v2  }
0x39: {  	(xrf0) =	vadd.scan.msk.s32 $0xffff, v5;
	_ =	sdelay $0x5  }
0x3a: {  	v5, _, _ =	vpop (xrf0)  }
0x3b: {  	v6 =	vxor.u32 $0x80000000, v5  }
0x3c: {  	(xrf0) =	vmax.scan.msk.u32 $0xffff, v6;
	_ =	sdelay $0x5  }
0x3d: {  	v6, _, _ =	vpop (xrf0)  }
0x3e: {  	(v2sf) =	vpush v6, $0xF;
	_ =	sdelay $0xc  }
0x3f: {  	s19 =	spop (v2sf)  }
0x40: {  	s18 =	sadd.s32 s19, s18  }
0x41: {  	s18 =	sadd.s32 $0x80000000, s18;
	s19 =	spop (v2sf)  }
0x42: {  	s20 =	sadd.s32 s19, s18  }
0x43: {  	s20 =	sadd.s32 $0x80000000, s20  }
0x44: {  	s20 =	sadd.s32 $0xF, s20  }
0x45: {  	s21 =	sand.u32 $0xF, s20  }
0x46: {  	v63 =	vmov s18;
	s31 =	sshra.s32 s20, $0x1F;
	p1 =	slt.s32 s20, $0x1;
	p0 =	sne.s32 s21, $0x0  }
0x47: {  	v6 =	vadd.s32 $0xFFFFFFFF, v63;
	s21 =	sshrl.u32 s31, $0x1C;
	p0 =	por !p1, !p0  }
0x48: {  	v6 =	vbroadcast v6, $0x0;
	s20 =	sadd.s32 s21, s20;
	s21 =	simm.s32 $0x1;
	p0 =	por !p0, !p0  }
0x49: {  	s20 =	sshra.s32 s20, $0x4;
	s21 =	simm.s32 @!p0 $0x0  }
0x4a: {  	v5 =	vadd.s32 v5, v6;
	s20 =	ssub.s32 s20, s21  }
0x4b: {  	p0 =	slt.s32 s20, $0x1  }
.Ltmp3:
0x4c: {  	_ = 	snop;
	(pc) =	sbr.rel @p0 .LBB2_4-.Ltmp3, $3  }
0x4d: {  	_ =	sdelay $0x1  }
0x4e: {  	[tilespmem:v5+s8+$0x0] =	vst.idx.msk vm0, v4;
	v4 =	vor.u32 s17, v3  }
0x4f: {  	[tilespmem:v5+s9+$0x0] =	vst.idx.msk vm0, v4  }
0x50: {  	s17 =	sadd.s32 s18, s19;
	s19 =	simm.s32 $0x4000;
	s21 =	simm.s32 $0x4C00  }
0x51: {  	s18 =	simm.s32 $0x0;
	s22 =	simm.s32 $0x0;
	s23 =	simm.s32 $0x4C00  }
0x52: {  	s24 =	simm.s32 $0x4000;
	s25 =	smov.u32 s20;
	s17 =	sadd.s32 $0x80000000, s17  }
.LBB2_6:
0x53: {  	v4 =	vld [tilespmem:s24+$0x0];
	_ =	sdelay $0x2  }
0x54: {  	v5 =	vmov s17  }
0x55: {  	vm0 =	vgt.s32 v5, v3  }
0x56: {  	(xrf1) =	vunique.msk.u32 vm0, v4;
	_ =	sdelay $0xd  }
0x57: {  	_, v5, vm1 =	vpop (xrf1)  }
0x58: {  	vm0 =	vmand vm0, vm1  }
0x59: {  	p0 =	sne.s32 s25, $0x1;
	v4 =	vsub.s32 v4, v0  }
.Ltmp4:
0x5a: {  	_ = 	snop;
	(pc) =	sbr.rel @p0 .LBB2_6-.Ltmp4, $4  }
0x5b: {  	_ = 	snop  }
0x5c: {  	v5 =	vsel vm0, $0x1, v2  }
0x5d: {  	s24 =	sadd.s32 $0x10, s24;
	s17 =	sadd.s32 $0xFFFFFFF0, s17;
	[tilespmem:s23+$0x0] =	vst v5;
	v5 =	vor.u32 s22, v3  }
0x5e: {  	s25 =	sadd.s32 $0xFFFFFFFF, s25;
	s23 =	sadd.s32 $0x10, s23;
	s22 =	sadd.s32 $0x10, s22;
	[tilespmem:v4+s11+$0x0] =	vst.idx.msk vm0, v5  }
0x5f: {  	p1 =	sne.s32 s20, $0x1  }
.Ltmp5:
0x60: {  	_ = 	snop;
	(pc) =	sbr.rel @!p1 .LBB2_8-.Ltmp5, $2  }
0x61: {  	_ =	sdelay $0x2  }
0x62: {  	s17 =	simm.s32 $0x4600;
	v4 =	vld [tilespmem:s21+$0x0];
	s20 =	sadd.s32 $0xFFFFFFFF, s20;
	p0 =	por $0x0, $0x0  }
0x63: {  	v5 =	vld [tilespmem:s19+$0x0];
	_ =	sdelay $0x3  }
0x64: {  	vm0 =	vne.s32 v4, $0x0  }
0x65: {  	v4 =	vsub.s32 v5, v0;
	_ =	sdelay $0x4  }
0x66: {  	v4 =	vld.idx.msk [tilespmem:v4+s11+$0x0], vm0;
	_ =	sdelay $0x3  }
0x67: {  	v6 =	vor.u32 s18, v3  }
0x68: {  	vm1 =	veq.s32 v4, v6  }
0x69: {  	vm0 =	vmand vm0, vm1  }
0x6a: {  	v4 =	vsel vm0, $0x1, v2  }
0x6b: {  	(xrf0) =	vadd.scan.msk.s32 $0xffff, v4;
	_ =	sdelay $0x2  }
0x6c: {  	v4 =	vmov s18  }
0x6d: {  	v4 =	vadd.s32 $0xFFFFFFFF, v4  }
0x6e: {  	v4 =	vbroadcast v4, $0x0  }
0x6f: {  	v6, _, _ =	vpop (xrf0)  }
0x70: {  	v4 =	vadd.s32 v6, v4  }
0x71: {  	v7 =	vxor.u32 $0x80000000, v6;
	v6 =	vshra.s32 v4, $0x1F  }
0x72: {  	(xrf0) =	vmax.scan.msk.u32 $0xffff, v7;
	v6 =	vshrl.u32 v6, $0x19  }
0x73: {  	v6 =	vadd.s32 v6, v4  }
0x74: {  	v6 =	vshra.s32 v6, $0x7  }
0x75: {  	v7 =	vshll.u32 v6, $0x7;
	_ =	sdelay $0x1  }
0x76: {  	vm15 =	vlt.s32 v4, $0x1;
	vm2 =	vne.s32 v4, v7  }
0x77: {  	vm1 =	vmand vm15, vm2;
	v7, _, _ =	vpop (xrf0)  }
0x78: {  	(v2sf) =	vpush v7, $0xF;
	v7 =	vsel vm1, $0xFFFFFFFF, v2  }
0x79: {  	v6 =	vadd.s32 v7, v6  }
0x7a: {  	v4 =	vand.u32 $0x7F, v4;
	v6 =	vshll.u32 v6, $0x7  }
0x7b: {  	v4 =	vor.u32 v4, v6;
	_ =	sdelay $0x4  }
0x7c: {  	[tilespmem:v4+s12+$0x0] =	vst.idx.msk vm0, v5  }
0x7d: {  	v5 =	vld [tilespmem:s17+$0x0]  }
0x7e: {  	p1 =	sne.s32 s20, $0x1  }
.Ltmp6:
0x7f: {  	_ = 	snop;
	(pc) =	sbr.rel @!p1 .LBB2_10-.Ltmp6, $4  }
0x80: {  	_ = 	snop  }
0x81: {  	s23 =	simm.s32 $0x4C10;
	s24 =	sadd.s32 $0xFFFFFFFF, s20  }
0x82: {  	s19 =	simm.s32 $0x4010;
	p0 =	por $0x1, $0x1;
	s21 =	simm.s32 $0x0;
	[tilespmem:v4+s13+$0x0] =	vst.idx.msk vm0, v5  }
0x83: {  	s22 =	simm.s32 $0x0;
	s20 =	simm.s32 $0x4600;
	s25 =	spop (v2sf);
	v4 =	vld [tilespmem:s23+$0x0]  }
.LBB2_11:
0x84: {  	p1 =	sne.s32 s24, $0x1;
	v5 =	vld [tilespmem:s19+$0x0];
	s21 =	sadd.s32 s25, s21  }
0x85: {  	s21 =	sadd.s32 $0x80000000, s21  }
0x86: {  	v6 =	vmov s21  }
0x87: {  	v6 =	vadd.s32 $0xFFFFFFFF, v6  }
0x88: {  	vm0 =	vne.s32 v4, $0x0;
	v4 =	vbroadcast v6, $0x0  }
0x89: {  	v6 =	vsub.s32 v5, v0;
	_ =	sdelay $0x4  }
0x8a: {  	v6 =	vld.idx.msk [tilespmem:v6+s11+$0x0], vm0;
	_ =	sdelay $0x3  }
0x8b: {  	s22 =	sadd.s32 $0x10, s22  }
0x8c: {  	v7 =	vor.u32 s22, v3  }
0x8d: {  	vm1 =	veq.s32 v6, v7  }
0x8e: {  	vm0 =	vmand vm0, vm1  }
0x8f: {  	v6 =	vsel vm0, $0x1, v2  }
0x90: {  	(xrf0) =	vadd.scan.msk.s32 $0xffff, v6;
	_ =	sdelay $0x5  }
0x91: {  	v6, _, _ =	vpop (xrf0)  }
0x92: {  	v4 =	vadd.s32 v6, v4;
	v6 =	vxor.u32 $0x80000000, v6  }
0x93: {  	v7 =	vshra.s32 v4, $0x1F;
	vm1 =	vlt.s32 v4, $0x1;
	v8 =	vand.u32 $0x7F, v4;
	(xrf0) =	vmax.scan.msk.u32 $0xffff, v6  }
0x94: {  	v6 =	vshrl.u32 v7, $0x19  }
0x95: {  	v6 =	vadd.s32 v6, v4  }
0x96: {  	v6 =	vshra.s32 v6, $0x7  }
0x97: {  	v7 =	vshll.u32 v6, $0x7  }
0x98: {  	vm2 =	vne.s32 v4, v7  }
0x99: {  	vm1 =	vmand vm1, vm2;
	v4, _, _ =	vpop (xrf0)  }
0x9a: {  	v7 =	vsel vm1, $0xFFFFFFFF, v2;
	(v2sf) =	vpush v4, $0xF  }
0x9b: {  	v4 =	vadd.s32 v7, v6  }
0x9c: {  	v4 =	vshll.u32 v4, $0x7  }
0x9d: {  	v4 =	vor.u32 v8, v4;
	_ =	sdelay $0x4  }
0x9e: {  	s20 =	sadd.s32 $0x10, s20;
	[tilespmem:v4+s12+$0x0] =	vst.idx.msk vm0, v5  }
0x9f: {  	v5 =	vld [tilespmem:s20+$0x0];
	_ =	sdelay $0x1  }
.Ltmp7:
0xa0: {  	(pc) =	sbr.rel @p1 .LBB2_11-.Ltmp7, $3  }
0xa1: {  	_ =	sdelay $0x1  }
0xa2: {  	s23 =	sadd.s32 $0x10, s23;
	[tilespmem:v4+s13+$0x0] =	vst.idx.msk vm0, v5  }
0xa3: {  	s24 =	sadd.s32 $0xFFFFFFFF, s24;
	s19 =	sadd.s32 $0x10, s19;
	v4 =	vld [tilespmem:s23+$0x0];
	s25 =	spop (v2sf)  }
.LBB2_12:
0xa4: {  	v5 =	vld [tilespmem:s19+$0x0];
	_ =	sdelay $0x3  }
0xa5: {  	vm0 =	vne.s32 v4, $0x0  }
0xa6: {  	v4 =	vsub.s32 v5, v0;
	_ =	sdelay $0x4  }
0xa7: {  	v4 =	vld.idx.msk [tilespmem:v4+s11+$0x0], vm0;
	_ =	sdelay $0x1  }
0xa8: {  	s19 =	sadd.s32 @p0 $0x10, s22  }
0xa9: {  	s18 =	smov.u32 @p0 s19  }
0xaa: {  	v6 =	vor.u32 s18, v3  }
0xab: {  	vm1 =	veq.s32 v4, v6  }
0xac: {  	vm0 =	vmand vm0, vm1  }
0xad: {  	v4 =	vsel vm0, $0x1, v2  }
0xae: {  	(xrf0) =	vadd.scan.msk.s32 $0xffff, v4;
	_ =	sdelay $0x5  }
0xaf: {  	v4, _, _ =	vpop (xrf0)  }
0xb0: {  	s18 =	sadd.s32 @p0 s25, s21;
	v59 =	vxor.u32 $0x80000000, v4  }
0xb1: {  	s19 =	simm.s32 $0x0;
	s18 =	sadd.s32 @p0 $0x80000000, s18;
	(xrf0) =	vmax.scan.msk.u32 $0xffff, v59  }
0xb2: {  	s19 =	smov.u32 @p0 s18  }
0xb3: {  	v7 =	vmov s19  }
0xb4: {  	v60 =	vadd.s32 $0xFFFFFFFF, v7  }
0xb5: {  	v6 =	vbroadcast v60, $0x0;
	_ =	sdelay $0x1  }
0xb6: {  	v4 =	vadd.s32 v4, v6;
	v61, _, _ =	vpop (xrf0)  }
0xb7: {  	v6 =	vshra.s32 v4, $0x1F;
	(v2sf) =	vpush v61, $0xF  }
0xb8: {  	v6 =	vshrl.u32 v6, $0x19  }
0xb9: {  	v6 =	vadd.s32 v6, v4  }
0xba: {  	v6 =	vshra.s32 v6, $0x7  }
0xbb: {  	v62 =	vshll.u32 v6, $0x7  }
0xbc: {  	vm15 =	vlt.s32 v4, $0x1;
	vm2 =	vne.s32 v4, v62  }
0xbd: {  	vm1 =	vmand vm15, vm2  }
0xbe: {  	v63 =	vsel vm1, $0xFFFFFFFF, v2  }
0xbf: {  	v6 =	vadd.s32 v63, v6  }
0xc0: {  	v4 =	vand.u32 $0x7F, v4;
	v6 =	vshll.u32 v6, $0x7  }
0xc1: {  	v4 =	vor.u32 v4, v6;
	_ =	sdelay $0x3  }
0xc2: {  	s18 =	sadd.s32 @p0 $0x10, s20  }
0xc3: {  	s17 =	smov.u32 @p0 s18;
	[tilespmem:v4+s12+$0x0] =	vst.idx.msk vm0, v5;
	s31 =	spop (v2sf)  }
0xc4: {  	v5 =	vld [tilespmem:s17+$0x0];
	s17 =	sadd.s32 s31, s19  }
0xc5: {  	s17 =	sadd.s32 $0x80000000, s17  }
0xc6: {  	p0 =	slt.s32 s17, $0x1  }
.Ltmp8:
0xc7: {  	_ = 	snop;
	(pc) =	sbr.rel @p0 .LBB2_14-.Ltmp8, $2  }
0xc8: {  	_ =	sdelay $0x2  }
0xc9: {  	[tilespmem:v4+s13+$0x0] =	vst.idx.msk vm0, v5  }
0xca: {  	s18 =	sadd.s32 $0xFFFFFFFF, s17  }
0xcb: {  	v63 =	vadd.s32 s17, v3;
	s23 =	sadd.s32 $0x10, s17;
	v4 =	vmov s18  }
0xcc: {  	s24 =	sadd.s32 $0x20, s17;
	s25 =	sadd.s32 $0x30, s17;
	s26 =	sadd.s32 $0x40, s17;
	v8 =	vshra.s32 v63, $0x1F;
	v9 =	vmov s23;
	vm8 =	vlt.s32 v63, $0x0  }
0xcd: {  	s28 =	sadd.s32 $0x50, s17;
	s29 =	sadd.s32 $0x60, s17;
	v30 =	vmov s24;
	v11 =	vmov s25;
	v15 =	vmov s26  }
0xce: {  	s30 =	sadd.s32 $0x70, s17;
	v19 =	vmov s28;
	v20 =	vmov s29;
	v4 =	vbroadcast v4, $0x0  }
0xcf: {  	s31 =	sadd.s32 $0x80, s17;
	v22 =	vmov s30;
	v27 =	vbroadcast v9, $0x0;
	v9 =	vbroadcast v30, $0x0  }
0xd0: {  	v46 =	vmov s31;
	v31 =	vbroadcast v11, $0x0;
	v15 =	vbroadcast v15, $0x0  }
0xd1: {  	v26 =	vshrl.u32 v8, $0x19;
	v19 =	vbroadcast v19, $0x0;
	v20 =	vbroadcast v20, $0x0  }
0xd2: {  	v35 =	vbroadcast v22, $0x0;
	v5 =	vshra.s32 v4, $0x1F;
	vm0 =	vlt.s32 v4, $0x1  }
0xd3: {  	v8 =	vadd.s32 v3, v27;
	v9 =	vadd.s32 v3, v9;
	v15 =	vadd.s32 v3, v15  }
0xd4: {  	v19 =	vadd.s32 v3, v19;
	v20 =	vadd.s32 v3, v20;
	v5 =	vshrl.u32 v5, $0x19  }
0xd5: {  	v28 =	vshra.s32 v8, $0x1F;
	vm10 =	vlt.s32 v8, $0x1;
	v12 =	vshra.s32 v9, $0x1F  }
0xd6: {  	vm12 =	vlt.s32 v9, $0x1;
	v34 =	vshra.s32 v15, $0x1F;
	vm5 =	vlt.s32 v15, $0x1  }
0xd7: {  	v36 =	vshra.s32 v19, $0x1F;
	v23 =	vshra.s32 v20, $0x1F;
	vm7 =	vlt.s32 v19, $0x1  }
0xd8: {  	v43 =	vand.u32 $0x7F, v9;
	v48 =	vand.u32 $0x7F, v19;
	v57 =	vand.u32 $0x7F, v20  }
0xd9: {  	v5 =	vadd.s32 v5, v4;
	v29 =	vshrl.u32 v28, $0x19;
	v12 =	vshrl.u32 v12, $0x19  }
0xda: {  	v22 =	vshrl.u32 v36, $0x19;
	v23 =	vshrl.u32 v23, $0x19;
	v5 =	vshra.s32 v5, $0x7  }
0xdb: {  	v12 =	vadd.s32 v12, v9;
	v22 =	vadd.s32 v22, v19;
	v23 =	vadd.s32 v23, v20  }
0xdc: {  	v6 =	vshll.u32 v5, $0x7;
	v16 =	vand.u32 $0xFFFFFF80, v12;
	v25 =	vand.u32 $0xFFFFFF80, v22  }
0xdd: {  	v41 =	vshrl.u32 v12, $0x7;
	v12 =	vbroadcast v46, $0x0;
	v47 =	vshrl.u32 v22, $0x7  }
0xde: {  	v52 =	vshrl.u32 v23, $0x7;
	vm1 =	vne.s32 v4, v6;
	v4 =	vand.u32 $0x7F, v4  }
0xdf: {  	vm13 =	vne.s32 v9, v16;
	v16 =	vshrl.u32 v34, $0x19;
	v6 =	vand.u32 $0x7F, v63  }
0xe0: {  	vm0 =	vmand vm0, vm1;
	v16 =	vadd.s32 v16, v15;
	v12 =	vadd.s32 v3, v12  }
0xe1: {  	v7 =	vsel vm0, $0xFFFFFFFF, v2;
	v21 =	vand.u32 $0xFFFFFF80, v16;
	v45 =	vshrl.u32 v16, $0x7  }
0xe2: {  	v49 =	vshra.s32 v12, $0x1F;
	v5 =	vadd.s32 v7, v5;
	v7 =	vadd.s32 v26, v63  }
0xe3: {  	vm6 =	vne.s32 v15, v21;
	v21 =	vadd.s32 v3, v35;
	v26 =	vand.u32 $0xFFFFFF80, v23  }
0xe4: {  	v51 =	vshrl.u32 v49, $0x19;
	v5 =	vshll.u32 v5, $0x7;
	v24 =	vshra.s32 v21, $0x1F  }
0xe5: {  	vm3 =	vne.s32 v20, v26;
	v59 =	vand.u32 $0x7F, v21;
	v4 =	vor.u32 v4, v5  }
0xe6: {  	v5 =	vshrl.u32 v7, $0x7;
	v7 =	vand.u32 $0xFFFFFF80, v7;
	v24 =	vshrl.u32 v24, $0x19  }
0xe7: {  	vm9 =	vne.s32 v63, v7;
	v7 =	vadd.s32 v29, v8;
	v24 =	vadd.s32 v24, v21  }
0xe8: {  	vm0 =	vmand vm8, vm9;
	v10 =	vand.u32 $0xFFFFFF80, v7;
	vm8 =	vne.s32 v19, v25  }
0xe9: {  	v37 =	vand.u32 $0xFFFFFF80, v24;
	v7 =	vshrl.u32 v7, $0x7;
	v54 =	vshrl.u32 v24, $0x7  }
0xea: {  	vm2 =	vne.s32 v8, v10;
	v32 =	vsel vm0, $0xFFFFFFFF, v2;
	v10 =	vadd.s32 v3, v31  }
0xeb: {  	vm0 =	vmand vm12, vm13;
	vm9 =	vmand vm7, vm8;
	v8 =	vand.u32 $0x7F, v8  }
0xec: {  	vm11 =	vmand vm10, vm2;
	v14 =	vshra.s32 v10, $0x1F;
	vm14 =	vlt.s32 v10, $0x1  }
0xed: {  	v17 =	vsel vm0, $0xFFFFFFFF, v2;
	vm0 =	vmand vm5, vm6;
	vm10 =	vne.s32 v21, v37  }
0xee: {  	v39 =	vsel vm9, $0xFFFFFFFF, v2;
	v5 =	vadd.s32 v32, v5;
	v14 =	vshrl.u32 v14, $0x19  }
0xef: {  	v13 =	vsel vm11, $0xFFFFFFFF, v2;
	v5 =	vshll.u32 v5, $0x7;
	v14 =	vadd.s32 v14, v10  }
0xf0: {  	v42 =	vld.idx.msk [tilespmem:v4+s12+$0x0], $0xffff;
	v5 =	vor.u32 v6, v5;
	v40 =	vadd.s32 v13, v7;
	v33 =	vand.u32 $0xFFFFFF80, v14  }
0xf1: {  	v38 =	vsel vm0, $0xFFFFFFFF, v2;
	v4 =	vld.idx.msk [tilespmem:v4+s13+$0x0], $0xffff;
	v6 =	vshll.u32 v40, $0x7;
	vm15 =	vne.s32 v10, v33  }
0xf2: {  	v7 =	vadd.s32 v17, v41;
	v6 =	vor.u32 v8, v6;
	vm4 =	vmand vm14, vm15  }
0xf3: {  	v7 =	vshll.u32 v7, $0x7;
	v44 =	vshrl.u32 v14, $0x7;
	v18 =	vsel vm4, $0xFFFFFFFF, v2  }
0xf4: {  	vm11 =	vlt.s32 v20, $0x1;
	v7 =	vor.u32 v43, v7;
	v8 =	vadd.s32 v18, v44  }
0xf5: {  	v9 =	vadd.s32 v38, v45;
	v10 =	vand.u32 $0x7F, v10;
	[tilespmem:v5+s12+$0x0] =	vst.idx.msk $0xffff, v42;
	v8 =	vshll.u32 v8, $0x7  }
0xf6: {  	vm12 =	vmand vm11, vm3;
	v9 =	vshll.u32 v9, $0x7;
	[tilespmem:v5+s13+$0x0] =	vst.idx.msk $0xffff, v4;
	v8 =	vor.u32 v10, v8  }
0xf7: {  	v53 =	vsel vm12, $0xFFFFFFFF, v2;
	vm15 =	vlt.s32 v12, $0x1;
	v5 =	vand.u32 $0x7F, v15;
	[tilespmem:v6+s12+$0x0] =	vst.idx.msk $0xffff, v42  }
0xf8: {  	vm4 =	vlt.s32 v21, $0x1;
	v10 =	vadd.s32 v39, v47;
	v5 =	vor.u32 v5, v9;
	[tilespmem:v6+s13+$0x0] =	vst.idx.msk $0xffff, v4  }
0xf9: {  	vm13 =	vmand vm4, vm10;
	v9 =	vadd.s32 v51, v12;
	v10 =	vshll.u32 v10, $0x7;
	[tilespmem:v7+s12+$0x0] =	vst.idx.msk $0xffff, v42  }
0xfa: {  	v56 =	vand.u32 $0xFFFFFF80, v9;
	v50 =	vor.u32 v48, v10;
	v10 =	vadd.s32 v53, v52;
	[tilespmem:v7+s13+$0x0] =	vst.idx.msk $0xffff, v4  }
0xfb: {  	v55 =	vsel vm13, $0xFFFFFFFF, v2;
	vm14 =	vne.s32 v12, v56;
	v10 =	vshll.u32 v10, $0x7;
	[tilespmem:v8+s12+$0x0] =	vst.idx.msk $0xffff, v42  }
0xfc: {  	v7 =	vadd.s32 v55, v54;
	vm0 =	vmand vm15, vm14;
	v58 =	vor.u32 v57, v10;
	[tilespmem:v8+s13+$0x0] =	vst.idx.msk $0xffff, v4  }
0xfd: {  	v9 =	vshrl.u32 v9, $0x7;
	v7 =	vshll.u32 v7, $0x7;
	v60 =	vsel vm0, $0xFFFFFFFF, v2;
	[tilespmem:v5+s12+$0x0] =	vst.idx.msk $0xffff, v42  }
0xfe: {  	v61 =	vadd.s32 v60, v9;
	[tilespmem:v5+s13+$0x0] =	vst.idx.msk $0xffff, v4;
	v5 =	vor.u32 v59, v7  }
0xff: {  	v62 =	vand.u32 $0x7F, v12;
	v7 =	vshll.u32 v61, $0x7;
	[tilespmem:v50+s12+$0x0] =	vst.idx.msk $0xffff, v42  }
0x100: {  	v63 =	vor.u32 v62, v7;
	[tilespmem:v50+s13+$0x0] =	vst.idx.msk $0xffff, v4  }
0x101: {  	[tilespmem:v58+s12+$0x0] =	vst.idx.msk $0xffff, v42  }
.Ltmp9:
0x102: {  	[tilespmem:v58+s13+$0x0] =	vst.idx.msk $0xffff, v4;
	(pc) =	sbr.rel .LBB2_14-.Ltmp9, $4  }
0x103: {  	[tilespmem:v5+s12+$0x0] =	vst.idx.msk $0xffff, v42  }
0x104: {  	[tilespmem:v5+s13+$0x0] =	vst.idx.msk $0xffff, v4  }
0x105: {  	[tilespmem:v63+s12+$0x0] =	vst.idx.msk $0xffff, v42  }
0x106: {  	[tilespmem:v63+s13+$0x0] =	vst.idx.msk $0xffff, v4  }
.LBB2_4:
0x107: {  	s17 =	simm.s32 $0x0  }
.LBB2_14:
0x108: {  	s17 =	sadd.s32 $0x7F, s17  }
0x109: {  	s18 =	sand.u32 $0x7F, s17  }
0x10a: {  	s19 =	sshra.s32 s17, $0x1F;
	p0 =	slt.s32 s17, $0x1;
	p1 =	sne.s32 s18, $0x0  }
0x10b: {  	s31 =	sshrl.u32 s19, $0x19;
	p0 =	por !p0, !p1  }
0x10c: {  	s18 =	simm.s32 $0x1;
	s17 =	sadd.s32 s31, s17;
	p0 =	por !p0, !p0  }
0x10d: {  	s17 =	sshra.s32 s17, $0x7;
	s18 =	simm.s32 @!p0 $0x0  }
0x10e: {  	s17 =	ssub.s32 s17, s18  }
0x10f: {  	p0 =	slt.s32 s17, $0x1  }
.Ltmp10:
0x110: {  	_ = 	snop;
	(pc) =	sbr.rel @p0 .LBB2_24-.Ltmp10, $1  }
0x111: {  	_ =	sdelay $0x3  }
0x112: {  	p0 =	sne.s32 s17, $0x1  }
.Ltmp11:
0x113: {  	_ = 	snop;
	(pc) =	sbr.rel @!p0 .LBB2_17-.Ltmp11, $3  }
0x114: {  	_ =	sdelay $0x1  }
0x115: {  	s18 =	simm.s32 $0xD218;
	s19 =	simm.s32 $0xD818;
	s20 =	sadd.s32 $0xFFFFFFFF, s17  }
0x116: {  	[tilespmem:s19], [sflag:$0x1] =	stream.indirect.gather [hbm4b:s4+s14], $0x10, s18, s14, $0xb8;
	[tilespmem:$0x13818] =	vst v63  }
.LBB2_16:
0x117: {  	p1 =	sne.s32 s20, $0x1  }
.Ltmp12:
0x118: {  	_ = 	snop;
	(pc) =	sbr.rel @p1 .LBB2_16-.Ltmp12, $4  }
0x119: {  	_ = 	snop  }
0x11a: {  	s18 =	sadd.s32 $0x80, s18;
	s19 =	sadd.s32 $0x800, s19  }
0x11b: {  	s20 =	sadd.s32 $0xFFFFFFFF, s20  }
0x11c: {  	[tilespmem:s19], [sflag:$0x1] =	stream.indirect.gather [hbm4b:s4+s14], $0x10, s18, s14, $0xb8;
	[tilespmem:$0x13818] =	vst v63  }
.LBB2_17:
0x11d: {  	s18 =	smov.u32 s17  }
.LBB2_18:
0x11e: {  	p1 =	sne.s32 s18, $0x1  }
.Ltmp13:
0x11f: {  	_ = 	snop;
	(pc) =	sbr.rel @p1 .LBB2_18-.Ltmp13, $4  }
0x120: {  	_ = 	snop  }
0x121: {  	_ =	swait.ge [sflag:s10], $0x800  }
0x122: {  	[sflag:s10] =	ssyncset.done $0x0  }
0x123: {  	s18 =	sadd.s32 $0xFFFFFFFF, s18;
	[sflag:s10] =	ssyncadd.s32 $0xFFFFF800  }
.Ltmp14:
0x124: {  	(pc) =	sbr.rel @!p0 .LBB2_21-.Ltmp14, $3  }
0x125: {  	_ =	sdelay $0x1  }
0x126: {  	s18 =	simm.s32 $0xCC18;
	s19 =	simm.s32 $0xD818;
	s20 =	sadd.s32 $0xFFFFFFFF, s17  }
0x127: {  	[hbm4b:s3+s14] =	stream.indirect.scatter [tilespmem:s19], [sflag:$0x2], $0x10, s18, s14, $0xb8;
	[tilespmem:$0x13818] =	vst v63  }
.LBB2_20:
0x128: {  	p1 =	sne.s32 s20, $0x1  }
.Ltmp15:
0x129: {  	_ = 	snop;
	(pc) =	sbr.rel @p1 .LBB2_20-.Ltmp15, $4  }
0x12a: {  	_ = 	snop  }
0x12b: {  	s18 =	sadd.s32 $0x80, s18;
	s19 =	sadd.s32 $0x800, s19  }
0x12c: {  	s20 =	sadd.s32 $0xFFFFFFFF, s20  }
0x12d: {  	[hbm4b:s3+s14] =	stream.indirect.scatter [tilespmem:s19], [sflag:$0x2], $0x10, s18, s14, $0xb8;
	[tilespmem:$0x13818] =	vst v63  }
.LBB2_21:
.Ltmp16:
0x12e: {  	(pc) =	sbr.rel @!p0 .LBB2_23-.Ltmp16, $3  }
0x12f: {  	_ =	sdelay $0x1  }
0x130: {  	_ =	swait.ge [sflag:s15], $0x800  }
0x131: {  	s17 =	sadd.s32 $0xFFFFFFFF, s17;
	[sflag:s15] =	ssyncset.done $0x0  }
.LBB2_22:
0x132: {  	p0 =	sne.s32 s17, $0x1;
	s17 =	sadd.s32 $0xFFFFFFFF, s17;
	[sflag:s15] =	ssyncadd.s32 $0xFFFFF800  }
.Ltmp17:
0x133: {  	(pc) =	sbr.rel @p0 .LBB2_22-.Ltmp17, $3  }
0x134: {  	_ =	sdelay $0x1  }
0x135: {  	_ =	swait.ge [sflag:s15], $0x800  }
0x136: {  	[sflag:s15] =	ssyncset.done $0x0  }
.Ltmp18:
0x137: {  	_ = 	snop;
	(pc) =	sbr.rel .LBB2_23-.Ltmp18, $1  }
0x138: {  	_ =	sdelay $0x3  }
.LBB2_8:
.Ltmp19:
0x139: {  	(pc) =	sbr.rel .LBB2_12-.Ltmp19, $2  }
0x13a: {  	_ =	sdelay $0x2  }
0x13b: {  	s21 =	simm.s32 $0x0;
	s22 =	simm.s32 $0x0;
	s20 =	simm.s32 $0x4600  }
.LBB2_10:
.Ltmp20:
0x13c: {  	(pc) =	sbr.rel .LBB2_12-.Ltmp20, $2  }
0x13d: {  	_ =	sdelay $0x2  }
0x13e: {  	s21 =	simm.s32 $0x0;
	s22 =	simm.s32 $0x0;
	s20 =	simm.s32 $0x4600  }
.LBB2_25:
0x13f: {  	_ =	sfence.sel $0x180000  }
0x140: {  	[bflag:$0x0] =	sbarrier.arrive $0xFFFF  }
0x141: {  	p0 =	sne.s32 s0, $0x0;
	_ =	strace $0x90000047  }
0x142: {  	s0 =	sadd.s32 @!p0 $0x100000, s1;
	[bflag:$0x2] =	sbarrier.arrive $0xFFFF  }
0x143: {  	[sflag:s0] =	ssyncadd.tile.s32 @!p0 $0x1;
	_ =	shalt  }
.Lfunc_end2:
_tile_overlayer_lowered:
.L_overlay_start_2:
0x144: {  	(tag) =	ssettag $0x2  }
0x145: {  	s0 =	rddreg [dreg:$0x0];
	s2 =	stileid.u32  }
0x146: {  	s1 =	rddreg [dreg:$0x1];
	p0 =	sne.s32 s2, $0x0  }
0x147: {  	s3 =	rddreg [dreg:$0x2];
	[bflag:$0x3] =	sbarrier.arrive $0xFFFF;
	s2 =	simm.s32 @!p0 $0x1C03  }
0x148: {  	[timem:s3], [sflag:s2] =	dma.local @!p0 [hbm:s0], s1  }
0x149: {  	s0 =	simm.s32 @!p0 $0x3  }
0x14a: {  	_ =	swait.ge @!p0 [sflag:s0], s1  }
0x14b: {  	s1 =	ssub.s32 @!p0 $0x0, s1;
	[sflag:s0] =	ssyncset.done @!p0 $0x0  }
0x14c: {  	[sflag:s0] =	ssyncadd.s32 @!p0 s1  }
0x14d: {  	[bflag:$0x3] =	sbarrier.arrive $0xFFFF  }
0x14e: {  	_ =	shalt  }

// kernel: sparse-core-data-format-call.cloned.1.call-start
scs
called_computation_lowered:
.L_overlay_start_0:
0x0: {  	s2 =	sld [smem:$0x3FD9]  }
0x1: {  	s3 =	sld [smem:$0x3FFE];
	_ =	sdelay $0x1  }
0x2: {  	s1 =	srdreg.scid  }
0x3: {  	s0 =	sand.u32 $0x1, s1  }
0x4: {  	s18 =	sshll.u32 s0, $0xA;
	s2 =	sadd.s32 s3, s2  }
0x5: {  	s2 =	sadd.s32 s2, s18  }
0x6: {  	[smem:$0x3FC5] =	sst s2  }
0x7: {  	_ = 	snop  }
0x8: {  	s2 =	sld [smem:$0x3FD0];
	(tm) =	ssettm $0x1  }
0x9: {  	s19 =	sld [smem:$0x3FFB];
	_ =	sdelay $0x3  }
0xa: {  	_ =	strace s19  }
0xb: {  	s3 =	sld [smem:$0x3FFC];
	_ =	sdelay $0x3  }
0xc: {  	_ =	strace s3  }
0xd: {  	s3 =	sld [smem:$0x3FFD];
	_ =	sdelay $0x3  }
0xe: {  	_ =	strace s3  }
0xf: {  	_ =	strace $0x8FFFFFFF  }
0x10: {  	s20 =	sld [smem:$0x3FDB];
	_ =	sdelay $0x1  }
0x11: {  	s4 =	simm.s32 $_scs_section_size  }
0x12: {  	s5 =	simm.s32 $_size__tile_overlayer_lowered;
	s6 =	simm.s32 $_tile_overlayer_lowered  }
0x13: {  	s23 =	simm.s32 $0x1BFF;
	s22 =	sshll.u32 s6, $0x1;
	s3 =	sadd.s32 s4, s20  }
0x14: {  	s7 =	simm.s32 $0x0;
	s21 =	sshll.u32 s5, $0x1;
	s5 =	sadd.s32 s22, s3  }
0x15: {  	[timem:s7], [sflag:s23] =	dma.local [hbm:s5], s21  }
0x16: {  	_ =	swait.ge [sflag:s23], s21  }
0x17: {  	s4 =	ssub.s32 $0x0, s21;
	[sflag:s23] =	ssyncset.done $0x0  }
0x18: {  	[sflag:s23] =	ssyncadd.s32 s4;
	_ =	sdelay $0x1  }
0x19: {  	s24 =	simm.s32 $0x1B8B  }
0x1a: {  	_ =	swait.ge [sflag:s24], $0x1  }
0x1b: {  	[sflag:s24] =	ssyncset.done $0x0  }
0x1c: {  	s26 =	simm.s32 $0x1B8E;
	s25 =	sld [smem:$0x3FFE];
	[sflag:s24] =	ssyncadd.s32 $0xFFFFFFFF  }
0x1d: {  	s27 =	simm.s32 $execute0_lowered;
	[smem:$0x3FD2] =	sst s26  }
0x1e: {  	s5 =	sshll.u32 s27, $0x1;
	_ =	strace $0x80000049;
	[dreg:$0x1] =	wrdreg $0xFFFFFFFF  }
0x1f: {  	s28 =	simm.s32 $_size_execute0_lowered;
	s3 =	sadd.s32 s3, s5;
	[dreg:$0x0] =	wrdreg $0x0  }
0x20: {  	s5 =	sshll.u32 s28, $0x1;
	[dreg:$0x2] =	wrdreg s3  }
0x21: {  	[dreg:$0x3] =	wrdreg s5  }
0x22: {  	[dreg:$0x4] =	wrdreg $0xC0  }
0x23: {  	_ =	task [dreg:s7], $0x5FFFF  }
0x24: {  	[dreg:$0x1] =	wrdreg $0xFFFFFFFF  }
0x25: {  	[dreg:$0x0] =	wrdreg $0x60  }
0x26: {  	[dreg:$0x2] =	wrdreg s25  }
0x27: {  	[dreg:$0x3] =	wrdreg s2  }
0x28: {  	[dreg:$0x4] =	wrdreg $0x9  }
0x29: {  	_ =	task.clear_ibuf [dreg:s7], $0x5FFFF;
	_ =	strace $0x90000049  }
0x2a: {  	s29 =	simm.s32 $0x9;
	_ =	strace $0x8000004B  }
0x2b: {  	_ =	swait.ge [sflag:s29], $0x1  }
0x2c: {  	[sflag:s29] =	ssyncadd.s32 $0xFFFFFFFF  }
0x2d: {  	_ =	strace $0x9000004B  }
0x2e: {  	_ =	sfence  }
0x2f: {  	s30 =	sld [smem:$0x0];
	_ =	sdelay $0x2  }
0x30: {  	s31 =	sshll.u32 s1, $0xD;
	s1 =	sshrl.u32 s1, $0x2  }
0x31: {  	s3 =	sand.u32 $0x4000, s31;
	s1 =	sadd.s32 s1, s30  }
0x32: {  	s0 =	sor.u32 s3, s0;
	s1 =	sshll.u32 s1, $0x11  }
0x33: {  	s0 =	sor.u32 s1, s0  }
0x34: {  	s0 =	sadd.s32 $0x8F2B, s0  }
0x35: {  	[sflag:s0] =	ssyncadd.remote.s32 $0x1  }
0x36: {  	_ =	sfence.sel $0xFFFF  }
0x37: {  	[dreg:$0x0] =	wrdreg $0xFFFFFFFF;
	(pc) =	sbr.abs _section_cstart, $3  }
0x38: {  	[dreg:$0x1] =	wrdreg $0xFFFFFFFF  }
0x39: {  	_ =	task.clear_ibuf [dreg:s7], $0x2FFFF;
	_ =	strace $0x9FFFFFFF  }
0x3a: {  	(tm) =	ssettm $0x7FFFFFFF  }
0x3b: {  	_ =	shalt  }
tec
execute0_lowered:
.L_overlay_start_1:
0x0: {  	(tag) =	ssettag $0x1  }
0x1: {  	s4 =	rddreg [dreg:$0x0]  }
0x2: {  	s0 =	srdreg.scid;
	s2 =	rddreg [dreg:$0x1]  }
0x3: {  	s1 =	stileid.u32;
	s5 =	simm.s32 $0x1;
	s0 =	sshll.u32 s0, $0x4  }
0x4: {  	s7 =	simm.s32 $0x2;
	s11 =	simm.s32 $0x0;
	s3 =	sand.u32 $0x10, s0  }
.Ltmp0:
0x5: {  	p0 =	por $0x0, $0x0;
	s3 =	sor.u32 s1, s3;
	(pc) =	sbr.rel .LBB1_1-.Ltmp0, $4  }
0x6: {  	s8 =	simm.s32 $0x7A1400;
	s10 =	simm.s32 $0x0;
	s3 =	sshll.u32 s3, $0x7  }
0x7: {  	s0 =	rddreg [dreg:$0x2];
	_ =	strace $0x8000004A;
	s6 =	ssub.s32 $0xF4200, s3  }
0x8: {  	s4 =	sadd.s32 $0xA00, s4;
	[sflag:s5] =	ssyncpa.u1 $0x0;
	s6 =	sshrl.u32 s6, $0xC  }
0x9: {  	[sflag:s7] =	ssyncpa.u1 $0x0;
	s9 =	smov.u32 s3;
	s7 =	sadd.s32 $0x2, s6  }
.LBB1_5:
0xa: {  	s13 =	sadd.s32 $0x1000, s9  }
0xb: {  	p2 =	sgt.s32 s13, $0xF423F  }
0xc: {  	s13 =	smov.u32 @p2 s3;
	p2 =	sne.s32 s10, s7  }
.Ltmp1:
0xd: {  	p1 =	slt.u32 s10, $0x2;
	(pc) =	sbr.rel @!p2 .LBB1_6-.Ltmp1, $4  }
0xe: {  	s12 =	simm.s32 @!p1 $0x2  }
0xf: {  	s14 =	sadd.s32 $0x1, s10;
	_ =	swait.ge @!p1 [sflag:s12], $0x800  }
0x10: {  	s11 =	smov.u32 s9;
	p0 =	por !p0, !p0;
	[sflag:s12] =	ssyncset.done @!p1 $0x0  }
0x11: {  	s10 =	smov.u32 s14;
	s9 =	smov.u32 s13;
	[sflag:s12] =	ssyncadd.s32 @!p1 $0xFFFFF800  }
.LBB1_1:
0x12: {  	p1 =	sgt.u32 s10, s6  }
0x13: {  	s13 =	smov.u32 s9;
	p2 =	sgt.s32 @!p1 s9, $0xF41C0  }
0x14: {  	s12 =	sand.u32 @!p1 $0x1FFFFFF, s9;
	s14 =	sshra.s32 @!p1 s9, $0x1F;
	p2 =	por !p2, p1  }
0x15: {  	s15 =	smulhi.u32 @!p1 $0x218DEF5, s12;
	s14 =	sand.u32 @!p1 s14, s9;
	s13 =	simm.s32 @p2 $0xF41C0  }
0x16: {  	s13 =	ssub.s32 @!p1 s13, s14  }
0x17: {  	s14 =	sshrl.u32 @!p1 s15, $0xD;
	s13 =	sadd.s32 @!p1 $0xFFF0BE40, s13  }
0x18: {  	s15 =	sxor.u32 @!p1 $0xFFFFFFFF, s10;
	s14 =	smul.u32 @!p1 $0xF4240, s14;
	s16 =	sshll.u32 @!p1 s13, $0x6  }
0x19: {  	s15 =	sshll.u32 @!p1 s15, $0xB;
	p2 =	sgt.s32 @!p1 s13, $0x7F;
	s13 =	ssub.s32 @!p1 $0x2000, s16  }
0x1a: {  	s12 =	ssub.s32 @!p1 s12, s14;
	p2 =	por !p2, p1;
	s14 =	sand.u32 @!p1 $0x800, s15  }
0x1b: {  	s15 =	simm.s32 @!p1 $0x10;
	s13 =	sshrl.u32 @!p1 s13, $0x2;
	s12 =	sshll.u32 @!p1 s12, $0x4  }
0x1c: {  	s16 =	simm.s32 @!p1 $0x80;
	s13 =	simm.s32 @!p2 $0x0;
	s12 =	sadd.s32 @!p1 s4, s12  }
0x1d: {  	[tilespmem:s14], [sflag:$0x1] =	stream.strided.gather @!p1 [hbm4b:s12+s15], s13, s16, s15, $0x38;
	[tilespmem:$0x2020] =	vst v63  }
0x1e: {  	p1 =	seq.s32 s10, $0x0  }
0x1f: {  	p2 =	sge.u32 @!p1 s10, s7  }
0x20: {  	p1 =	por p1, p2  }
.Ltmp2:
0x21: {  	_ = 	snop;
	(pc) =	sbr.rel @p1 .LBB1_5-.Ltmp2, $1  }
0x22: {  	_ =	sdelay $0x3  }
0x23: {  	p1 =	sgt.s32 s11, $0xF41C0;
	s12 =	smov.u32 s11;
	s13 =	sshra.s32 s11, $0x1F  }
0x24: {  	s12 =	simm.s32 @!p1 $0xF41C0;
	s13 =	sand.u32 s13, s11  }
0x25: {  	s12 =	ssub.s32 s12, s13  }
0x26: {  	s12 =	sadd.s32 $0xFFF0BE40, s12  }
0x27: {  	s29 =	sshll.u32 s12, $0x6  }
0x28: {  	s13 =	ssub.s32 $0x2000, s29  }
0x29: {  	p1 =	sgt.s32 s12, $0x7F;
	s12 =	sshrl.u32 s13, $0x2  }
0x2a: {  	s13 =	simm.s32 $0x1;
	s12 =	simm.s32 @p1 $0x0  }
0x2b: {  	s13 =	simm.s32 @!p0 $0x0;
	_ =	swait.ge [sflag:s5], s12  }
0x2c: {  	s14 =	sshll.u32 s13, $0xB;
	s12 =	ssub.s32 $0x0, s12;
	[sflag:s5] =	ssyncset.done $0x0  }
0x2d: {  	s15 =	sor.u32 $0x40, s14;
	[sflag:s5] =	ssyncadd.s32 s12  }
0x2e: {  	v1 =	vld [tilespmem:s15+$0x30]  }
0x2f: {  	s30 =	smul.u32 $0x2040, s13;
	v4 =	vld [tilespmem:s15+$0xFFFFFFD0]  }
0x30: {  	v5 =	vld [tilespmem:s15+$0xFFFFFFE0]  }
0x31: {  	s31 =	sand.u32 $0x1, s10;
	s12 =	sshrl.u32 s30, $0x2;
	v2 =	vld [tilespmem:s15+$0xFFFFFFF0]  }
0x32: {  	s13 =	smul.u32 $0x2040, s31;
	s12 =	sor.u32 $0x1007, s12;
	v3 =	vld [tilespmem:s15+$0x0]  }
0x33: {  	v0 =	vld [tilespmem:s15+$0x10];
	[tilespmem:s12+$0x0 ss:$0x81] =	vst.msk $0xffff, v1  }
0x34: {  	s13 =	sshrl.u32 s13, $0x2;
	[tilespmem:s12+$0xFFFFFFFA ss:$0x81] =	vst.msk $0xffff, v4;
	v4 =	vld [tilespmem:s15+$0x20]  }
0x35: {  	s14 =	simm.s32 $0x0;
	s13 =	sor.u32 $0x1000, s13;
	v1 =	vld [tilespmem:s15+$0xFFFFFFC0];
	[tilespmem:s12+$0xFFFFFFFB ss:$0x81] =	vst.msk $0xffff, v5;
	s15 =	sadd.s32 $0x80, s15  }
.LBB1_3:
0x36: {  	v5 =	vld [tilespmem:s15+$0x30];
	s14 =	sadd.s32 $0x8, s14;
	[tilespmem:s12+$0xFFFFFFFC ss:$0x81] =	vst.msk $0xffff, v2  }
0x37: {  	v6 =	vld [tilespmem:s15+$0xFFFFFFD0];
	p1 =	slt.u32 s14, $0x78;
	[tilespmem:s12+$0xFFFFFFFD ss:$0x81] =	vst.msk $0xffff, v3  }
0x38: {  	v7 =	vld [tilespmem:s15+$0xFFFFFFE0];
	[tilespmem:s12+$0xFFFFFFFE ss:$0x81] =	vst.msk $0xffff, v0  }
.Ltmp3:
0x39: {  	v2 =	vld [tilespmem:s15+$0xFFFFFFF0];
	[tilespmem:s12+$0xFFFFFFFF ss:$0x81] =	vst.msk $0xffff, v4;
	(pc) =	sbr.rel @p1 .LBB1_3-.Ltmp3, $4  }
0x3a: {  	v3 =	vld [tilespmem:s15+$0x0];
	[tilespmem:s12+$0xFFFFFFF9 ss:$0x81] =	vst.msk $0xffff, v1;
	s12 =	sadd.s32 $0x8, s12  }
0x3b: {  	v0 =	vld [tilespmem:s15+$0x10];
	[tilespmem:s12+$0x0 ss:$0x81] =	vst.msk $0xffff, v5  }
0x3c: {  	[tilespmem:s12+$0xFFFFFFFA ss:$0x81] =	vst.msk $0xffff, v6;
	v4 =	vld [tilespmem:s15+$0x20]  }
0x3d: {  	v1 =	vld [tilespmem:s15+$0xFFFFFFC0];
	[tilespmem:s12+$0xFFFFFFFB ss:$0x81] =	vst.msk $0xffff, v7;
	s15 =	sadd.s32 $0x80, s15  }
0x3e: {  	s14 =	sshll.u32 s11, $0x3  }
0x3f: {  	s30 =	sand.u32 $0x7F, s11;
	s14 =	sand.u32 $0xFFFFFC00, s14  }
0x40: {  	s11 =	sor.u32 s30, s14  }
0x41: {  	s15 =	smulhi.u32 $0x218D6287, s11;
	_ =	sdelay $0x1  }
0x42: {  	s14 =	smulhi.u32 $0x218D6287, s14;
	s15 =	sshrl.u32 s15, $0x11  }
0x43: {  	s15 =	smul.u32 $0xF4280, s15  }
0x44: {  	[tilespmem:s12+$0xFFFFFFFC ss:$0x81] =	vst.msk $0xffff, v2;
	s14 =	sshrl.u32 s14, $0x11  }
.Ltmp4:
0x45: {  	[tilespmem:s12+$0xFFFFFFFD ss:$0x81] =	vst.msk $0xffff, v3;
	s14 =	sand.u32 $0xF, s14;
	s11 =	ssub.s32 s11, s15;
	(pc) =	sbr.rel .LBB1_5-.Ltmp4, $4  }
0x46: {  	[tilespmem:s12+$0xFFFFFFFE ss:$0x81] =	vst.msk $0xffff, v0;
	s14 =	smul.u32 $0x1E850, s14;
	s15 =	sshrl.u32 s11, $0x3;
	s11 =	sand.u32 $0x7, s11  }
0x47: {  	[tilespmem:s12+$0xFFFFFFFF ss:$0x81] =	vst.msk $0xffff, v4;
	s15 =	sadd.s32 s2, s15;
	s11 =	sshll.u32 s11, $0x12  }
0x48: {  	[tilespmem:s12+$0xFFFFFFF9 ss:$0x81] =	vst.msk $0xffff, v1;
	s31 =	sadd.s32 s14, s15;
	s11 =	sor.u32 $0x400, s11  }
0x49: {  	[hbm4b:s31+s11] =	stream.strided.scatter [tilespmem:s13], [sflag:$0x2], $0x800, s8, s11, $0x20;
	[tilespmem:$0x2020] =	vst v63  }
.LBB1_6:
0x4a: {  	_ =	sfence.sel $0x180000  }
0x4b: {  	s2 =	simm.s32 $0x1;
	[bflag:$0x0] =	sbarrier.arrive $0xFFFF  }
0x4c: {  	s31 =	simm.s32 $0x2;
	[sflag:s2] =	ssyncpa.u1 $0x1  }
0x4d: {  	[sflag:s31] =	ssyncpa.u1 $0x1  }
0x4e: {  	p0 =	sne.s32 s1, $0x0;
	_ =	strace $0x9000004A  }
0x4f: {  	s0 =	sadd.s32 @!p0 $0x100000, s0;
	[bflag:$0x2] =	sbarrier.arrive $0xFFFF  }
0x50: {  	[sflag:s0] =	ssyncadd.tile.s32 @!p0 $0x1;
	_ =	shalt  }
.Lfunc_end1:
_tile_overlayer_lowered:
.L_overlay_start_2:
0x51: {  	(tag) =	ssettag $0x2  }
0x52: {  	s0 =	rddreg [dreg:$0x0];
	s2 =	stileid.u32  }
0x53: {  	s1 =	rddreg [dreg:$0x1];
	p0 =	sne.s32 s2, $0x0  }
0x54: {  	s3 =	rddreg [dreg:$0x2];
	[bflag:$0x3] =	sbarrier.arrive $0xFFFF;
	s2 =	simm.s32 @!p0 $0x1C01  }
0x55: {  	[timem:s3], [sflag:s2] =	dma.local @!p0 [hbm:s0], s1  }
0x56: {  	s0 =	simm.s32 @!p0 $0x1  }
0x57: {  	_ =	swait.ge @!p0 [sflag:s0], s1  }
0x58: {  	s1 =	ssub.s32 @!p0 $0x0, s1;
	[sflag:s0] =	ssyncset.done @!p0 $0x0  }
0x59: {  	[sflag:s0] =	ssyncadd.s32 @!p0 s1  }
0x5a: {  	[bflag:$0x3] =	sbarrier.arrive $0xFFFF  }
0x5b: {  	_ =	shalt  }

</sc_bundles>
